<compile_context>
chip_gen: v7x
topology: tpu7x:2x2x1
jax: 0.10.2.dev20260603
libtpu: 0.0.44.dev20260713+nightly
codegen_flags: <defaults>
</compile_context>

<pallas_src>
import functools

import jax
import jax.numpy as jnp
from jax import lax
from jax.experimental import pallas as pl
from jax.experimental.pallas import tpu as pltpu
from jax.experimental.pallas import tpu_sc as plsc

N = 100000
K = 16
H = 32
BN = 512
NPAD = 102400
EPAD = NPAD * K
NROW = NPAD // 128
BROW = 80
CHUNK = 10240
NWORK = 32
PER_W = EPAD // NWORK
SWEEPS = 8


def _sc_gather(table8, idx):
    mesh = plsc.VectorSubcoreMesh(core_axis_name="c", subcore_axis_name="s")

    @functools.partial(
        pl.kernel,
        mesh=mesh,
        out_type=jax.ShapeDtypeStruct((EPAD, 8), jnp.float32),
        scratch_types=[
            pltpu.VMEM((CHUNK,), jnp.int32),
            pltpu.VMEM((CHUNK, 8), jnp.float32),
            pltpu.SemaphoreType.DMA,
        ],
        compiler_params=pltpu.CompilerParams(use_tc_tiling_on_sc=False),
    )
    def gather_k(table_hbm, idx_hbm, out_hbm, idx_v, rows_v, sem):
        wid = lax.axis_index("s") * 2 + lax.axis_index("c")
        for ch in range(PER_W // CHUNK):
            base = wid * PER_W + ch * CHUNK
            pltpu.sync_copy(idx_hbm.at[pl.ds(base, CHUNK)], idx_v)
            pltpu.async_copy(table_hbm.at[idx_v], rows_v, sem).wait()
            pltpu.sync_copy(rows_v, out_hbm.at[pl.ds(base, CHUNK)])

    return gather_k(table8, idx)


def _edge_kernel(std_ref, b3_ref, gath_ref, tab_ref, ow_ref, w1_ref, b1_ref,
                 w2_ref, b2_ref, w3_ref, wout_ref):
    be = BN * K
    g8 = gath_ref[...]
    t8 = tab_ref[...]
    stddev = std_ref[0, 0]

    posn = t8[:, 0:3]
    nrm = t8[:, 3:6]
    posb = jnp.broadcast_to(posn[:, None, :], (BN, K, 3)).reshape(be, 3)
    nrmb = jnp.broadcast_to(nrm[:, None, :], (BN, K, 3)).reshape(be, 3)

    pj = g8[:, 0:3]
    nj = g8[:, 3:6]
    e = pj - posb
    rel = e / stddev
    dist = jnp.sqrt(jnp.sum(rel * rel, axis=1, keepdims=True))
    ndot = jnp.sum(nrmb * nj, axis=1, keepdims=True)
    nproj = jnp.sum(nrmb * rel, axis=1, keepdims=True)
    rowk = lax.broadcasted_iota(jnp.int32, (be, K), 0) % K
    lane = lax.broadcasted_iota(jnp.int32, (be, K), 1)
    onek = (rowk == lane).astype(jnp.float32)
    owb = jnp.broadcast_to(ow_ref[...][:, None, :], (BN, K, K)).reshape(be, K)
    ow = jnp.sum(owb * onek, axis=1, keepdims=True)
    zero = jnp.zeros((be, 1), jnp.float32)
    feat = jnp.concatenate([rel, dist, ndot, nproj, ow, zero], axis=1)

    h = jnp.dot(feat, w1_ref[...], preferred_element_type=jnp.float32)
    h = jnp.maximum(h + b1_ref[...], 0.0)
    hr = h.reshape(BN, K, H)
    m = hr[:, 0, :]
    for k in range(1, K):
        m = m + hr[:, k, :]
    mb = jnp.broadcast_to(m[:, None, :], (BN, K, H)).reshape(be, H)
    cat = jnp.concatenate([h, mb], axis=1)
    g2 = jnp.dot(cat, w2_ref[...], preferred_element_type=jnp.float32)
    g2 = jnp.maximum(g2 + b2_ref[...], 0.0)

    def rbf(x):
        return x.astype(jnp.bfloat16).astype(jnp.float32)

    logits = jnp.sum(rbf(g2) * rbf(w3_ref[...]), axis=1, keepdims=True) \
        + b3_ref[0, 0]
    w = 1.0 / (1.0 + jnp.exp(-logits))

    def to_nk(col):
        spread = col * onek
        return jnp.sum(spread.reshape(BN, K, K), axis=1)

    wk = to_nk(w)
    wout_ref[...] = wk



def _edge_pass(gath, table8, owp, stddev2, w1p, b1r, w2, b2r, w3r, b3s):
    grid = NPAD // BN
    be = BN * K
    return pl.pallas_call(
        _edge_kernel,
        grid=(grid,),
        in_specs=[
            pl.BlockSpec(memory_space=pltpu.SMEM),
            pl.BlockSpec(memory_space=pltpu.SMEM),
            pl.BlockSpec((be, 8), lambda i: (i, 0)),
            pl.BlockSpec((BN, 8), lambda i: (i, 0)),
            pl.BlockSpec((BN, K), lambda i: (i, 0)),
            pl.BlockSpec((8, H), lambda i: (0, 0)),
            pl.BlockSpec((1, H), lambda i: (0, 0)),
            pl.BlockSpec((2 * H, H), lambda i: (0, 0)),
            pl.BlockSpec((1, H), lambda i: (0, 0)),
            pl.BlockSpec((1, H), lambda i: (0, 0)),
        ],
        out_specs=pl.BlockSpec((BN, K), lambda i: (i, 0)),
        out_shape=jax.ShapeDtypeStruct((NPAD, K), jnp.float32),
        compiler_params=pltpu.CompilerParams(
            dimension_semantics=("arbitrary",),
        ),
    )(stddev2, b3s, gath, table8, owp, w1p, b1r, w2, b2r, w3r)


def kernel(old_weights, pos, batch, normals, edge_idx_l, dense_l, stddev,
           W1, b1, W2, b2, W3, b3):
    table8 = jnp.pad(jnp.concatenate([pos, normals], axis=1),
                     ((0, NPAD - N), (0, 2)))
    idx = jnp.pad(dense_l.reshape(-1), (0, EPAD - N * K))
    owp = jnp.pad(old_weights, ((0, NPAD - N), (0, 0)))
    w1p = jnp.pad(W1, ((0, 1), (0, 0)))
    b1r = b1.reshape(1, H)
    b2r = b2.reshape(1, H)
    w3r = W3.reshape(1, H)
    b3s = b3.reshape(1, 1)
    stddev2 = stddev.reshape(1, 1)

    gath = _sc_gather(table8, idx)
    weights_pad = _edge_pass(gath, table8, owp, stddev2, w1p, b1r, w2=W2,
                             b2r=b2r, w3r=w3r, b3s=b3s)
    weights_n = weights_pad[:N]
    edge_pos = pos[dense_l] - pos[:, None, :]
    wep = weights_n[:, :, None] * edge_pos
    cov = jnp.einsum('nki,nkj->nij', wep, edge_pos)
    eig_val, eig_vec = jnp.linalg.eigh(cov)
    order = jnp.argsort(jnp.abs(eig_val), axis=-1)
    eig_vec = jnp.take_along_axis(eig_vec, order[:, None, :], axis=2)
    new_normals = eig_vec[:, :, 0]
    weights = weights_pad[:N]
    return (new_normals, weights)

# --- scband reference (transcript-rebuilt; emitter-appended) ---
"""Pipeline reference for scband-normal-estimation-53051436040783 (READ-ONLY COPY).

The authoritative reference and input builder live on the scoring server;
editing this copy changes nothing except your own understanding.
"""

import jax, jax.numpy as jnp
import numpy as np

N = 100000
K = 16
H = 32


def setup_inputs(seed: int = 0) -> dict:
    key = jax.random.key(seed)
    ks = jax.random.split(key, 8)
    pos = jax.random.normal(ks[0], (N, 3), dtype=jnp.float32)
    normals = jax.random.normal(ks[1], (N, 3), dtype=jnp.float32)
    normals = normals / (jnp.linalg.norm(normals, axis=-1, keepdims=True) + 1e-8)
    old_weights = jax.random.uniform(ks[2], (N, K), dtype=jnp.float32)
    dense_l = jax.random.randint(ks[3], (N, K), 0, N)
    row = jnp.repeat(jnp.arange(N, dtype=jnp.int32), K)
    edge_idx_l = jnp.stack([row, dense_l.reshape(-1).astype(jnp.int32)], axis=0)
    batch = jnp.zeros((N,), dtype=jnp.int32)
    stddev = jnp.ones((1,), dtype=jnp.float32)
    # learned parameters of GNNFixedK (per-edge MLP + aggregation MLP)
    W1 = (jax.random.normal(ks[4], (7, H), dtype=jnp.float32) * 0.1)
    b1 = jnp.zeros((H,), dtype=jnp.float32)
    W2 = (jax.random.normal(ks[5], (2 * H, H), dtype=jnp.float32) * 0.1)
    b2 = jnp.zeros((H,), dtype=jnp.float32)
    W3 = (jax.random.normal(ks[6], (H, 1), dtype=jnp.float32) * 0.1)
    b3 = jnp.zeros((1,), dtype=jnp.float32)
    return dict(old_weights=old_weights, pos=pos, batch=batch, normals=normals,
                edge_idx_l=edge_idx_l, dense_l=dense_l, stddev=stddev,
                W1=W1, b1=b1, W2=W2, b2=b2, W3=W3, b3=b3)


def _step_weights(pos, old_weights, normals, edge_idx_l, stddev, W1, b1, W2, b2, W3, b3):
    # GNNFixedK: per-edge geometric features -> MLP -> node aggregation -> per-edge weight
    row = edge_idx_l[0]
    col = edge_idx_l[1]
    rel = (pos[col] - pos[row]) / stddev  # gather (SparseCore)
    dist = jnp.linalg.norm(rel, axis=-1, keepdims=True)
    ndot = jnp.sum(normals[row] * normals[col], axis=-1, keepdims=True)
    nproj = jnp.sum(normals[row] * rel, axis=-1, keepdims=True)
    ow = old_weights.reshape(-1, 1)
    feat = jnp.concatenate([rel, dist, ndot, nproj, ow], axis=-1)  # [E, 7]
    h = jax.nn.relu(feat @ W1 + b1)  # [E, H]
    m = jax.ops.segment_sum(h, row, num_segments=pos.shape[0])  # scatter-add
    g = jax.nn.relu(jnp.concatenate([h, m[row]], axis=-1) @ W2 + b2)
    w = jax.nn.sigmoid(g @ W3 + b3)
    return w.reshape(old_weights.shape)  # [N, K]


def _weighted_cov(pos, weights, dense_l):
    # C_i = sum_j w_ij (p_j - p_i)(p_j - p_i)^T
    edge_pos = pos[dense_l] - pos[:, None, :]  # [N, K, 3] gather
    wep = weights[:, :, None] * edge_pos
    cov = jnp.einsum('nki,nkj->nij', wep, edge_pos)  # [N, 3, 3], symmetric
    return cov


def reference(old_weights, pos, batch, normals, edge_idx_l, dense_l, stddev,
              W1, b1, W2, b2, W3, b3):
    weights = _step_weights(pos, old_weights, normals, edge_idx_l, stddev,
                            W1, b1, W2, b2, W3, b3)
    cov = _weighted_cov(pos, weights, dense_l)
    eig_val, eig_vec = jnp.linalg.eigh(cov)  # Sym3Eig
    order = jnp.argsort(jnp.abs(eig_val), axis=-1)
    eig_vec = jnp.take_along_axis(eig_vec, order[:, None, :], axis=2)
    new_normals = eig_vec[:, :, 0]
    return (new_normals, weights)

if __name__ == "__main__":
    import jax
    _d = setup_inputs()
    print(jax.jit(kernel)(*tuple(_d.values())))

</pallas_src>

<mosaic_0001>
#map = affine_map<(d0, d1) -> (0, 0)>
#map1 = affine_map<(d0, d1) -> (0)>
module attributes {stable_mosaic.version = 14 : i64} {
  func.func @gather_k(%arg0: i32, %arg1: i32, %arg2: memref<102400x8xf32, #tpu.memory_space<hbm>>, %arg3: memref<1638400xi32, #tpu.memory_space<hbm>>, %arg4: memref<1638400x8xf32, #tpu.memory_space<hbm>>, %arg5: memref<10240xi32, #tpu.memory_space<vmem>>, %arg6: memref<10240x8xf32, #tpu.memory_space<vmem>>, %arg7: memref<!tpu.dma_semaphore, #tpu.memory_space<semaphore_mem>>) attributes {dimension_semantics = [#tpu.dimension_semantics<core_parallel>, #tpu.dimension_semantics<subcore_parallel>], iteration_bounds = array<i64: 2, 16>, scalar_prefetch = 0 : i64, scratch_operands = 3 : i64, tpu.core_type = #tpu.core_type<sc_vector_subcore>, window_params = [{transform_indices = #map}, {transform_indices = #map1}, {transform_indices = #map}]} {
    %mul3A = arith.constant 2 : i32
    %mul3A_0 = arith.muli %arg1, %mul3A : i32
    %add3A = arith.addi %mul3A_0, %arg0 : i32
    %mul3A_1 = arith.constant 51200 : i32
    %mul3A_2 = arith.muli %add3A, %mul3A_1 : i32
    %add3A_3 = arith.constant 0 : i32
    %add3A_4 = arith.addi %mul3A_2, %add3A_3 : i32
    "tpu.region"() ({
      %run_scoped3A = tpu.sem_alloc : memref<!tpu.dma_semaphore, #tpu.memory_space<semaphore_mem>>
      %dma_start3A_49 = tpu.memref_slice %arg3[%add3A_4] : memref<1638400xi32, #tpu.memory_space<hbm>> -> memref<10240xi32, #tpu.memory_space<hbm>>
      %dma_start3A_50 = tpu.memref_slice %arg3[%add3A_4] : memref<1638400xi32, #tpu.memory_space<hbm>> -> memref<10240xi32, #tpu.memory_space<hbm>>
      tpu.enqueue_dma source(%dma_start3A_50 : memref<10240xi32, #tpu.memory_space<hbm>>) target(%arg5 : memref<10240xi32, #tpu.memory_space<vmem>>) target_semaphore(%run_scoped3A : memref<!tpu.dma_semaphore, #tpu.memory_space<semaphore_mem>>)
      %dma_wait3A_51 = tpu.memref_slice %arg3[%add3A_4] : memref<1638400xi32, #tpu.memory_space<hbm>> -> memref<10240xi32, #tpu.memory_space<hbm>>
      %dma_wait3A_52 = tpu.memref_slice %arg3[%add3A_4] : memref<1638400xi32, #tpu.memory_space<hbm>> -> memref<10240xi32, #tpu.memory_space<hbm>>
      tpu.wait_dma2 semaphore(%run_scoped3A : memref<!tpu.dma_semaphore, #tpu.memory_space<semaphore_mem>>) src(%dma_wait3A_52 : memref<10240xi32, #tpu.memory_space<hbm>>) dst(%arg5 : memref<10240xi32, #tpu.memory_space<vmem>>)
      tpu.yield
    }) : () -> ()
    %dma_start3A = arith.constant 0 : i32
    %dma_start3A_5 = arith.constant 0 : i32
    %dma_start3A_6 = tpu.memref_slice %arg2[%dma_start3A, %dma_start3A_5] : memref<102400x8xf32, #tpu.memory_space<hbm>> -> memref<102400x8xf32, #tpu.memory_space<hbm>>
    tpu.enqueue_indirect_dma source(%dma_start3A_6 : memref<102400x8xf32, #tpu.memory_space<hbm>>) target(%arg6 : memref<10240x8xf32, #tpu.memory_space<vmem>>) offsets(%arg5 : memref<10240xi32, #tpu.memory_space<vmem>>) semaphore(%arg7 : memref<!tpu.dma_semaphore, #tpu.memory_space<semaphore_mem>>)
    %dma_wait3A = arith.constant 0 : i32
    %dma_wait3A_7 = arith.constant 0 : i32
    %dma_wait3A_8 = tpu.memref_slice %arg2[%dma_wait3A, %dma_wait3A_7] : memref<102400x8xf32, #tpu.memory_space<hbm>> -> memref<102400x8xf32, #tpu.memory_space<hbm>>
    tpu.wait_indirect_dma semaphore(%arg7 : memref<!tpu.dma_semaphore, #tpu.memory_space<semaphore_mem>>) src(%dma_wait3A_8 : memref<102400x8xf32, #tpu.memory_space<hbm>>) dst(%arg6 : memref<10240x8xf32, #tpu.memory_space<vmem>>)
    "tpu.region"() ({
      %run_scoped3A = tpu.sem_alloc : memref<!tpu.dma_semaphore, #tpu.memory_space<semaphore_mem>>
      %dma_start3A_49 = arith.constant 0 : i32
      %dma_start3A_50 = tpu.memref_slice %arg4[%add3A_4, %dma_start3A_49] : memref<1638400x8xf32, #tpu.memory_space<hbm>> -> memref<10240x8xf32, #tpu.memory_space<hbm>>
      %dma_start3A_51 = arith.constant 0 : i32
      %dma_start3A_52 = tpu.memref_slice %arg4[%add3A_4, %dma_start3A_51] : memref<1638400x8xf32, #tpu.memory_space<hbm>> -> memref<10240x8xf32, #tpu.memory_space<hbm>>
      tpu.enqueue_dma source(%arg6 : memref<10240x8xf32, #tpu.memory_space<vmem>>) target(%dma_start3A_52 : memref<10240x8xf32, #tpu.memory_space<hbm>>) target_semaphore(%run_scoped3A : memref<!tpu.dma_semaphore, #tpu.memory_space<semaphore_mem>>)
      %dma_wait3A_53 = arith.constant 0 : i32
      %dma_wait3A_54 = tpu.memref_slice %arg4[%add3A_4, %dma_wait3A_53] : memref<1638400x8xf32, #tpu.memory_space<hbm>> -> memref<10240x8xf32, #tpu.memory_space<hbm>>
      %dma_wait3A_55 = arith.constant 0 : i32
      %dma_wait3A_56 = tpu.memref_slice %arg4[%add3A_4, %dma_wait3A_55] : memref<1638400x8xf32, #tpu.memory_space<hbm>> -> memref<10240x8xf32, #tpu.memory_space<hbm>>
      tpu.wait_dma2 semaphore(%run_scoped3A : memref<!tpu.dma_semaphore, #tpu.memory_space<semaphore_mem>>) src(%arg6 : memref<10240x8xf32, #tpu.memory_space<vmem>>) dst(%dma_wait3A_56 : memref<10240x8xf32, #tpu.memory_space<hbm>>)
      tpu.yield
    }) : () -> ()
    %mul3A_9 = arith.constant 51200 : i32
    %mul3A_10 = arith.muli %add3A, %mul3A_9 : i32
    %add3A_11 = arith.constant 10240 : i32
    %add3A_12 = arith.addi %mul3A_10, %add3A_11 : i32
    "tpu.region"() ({
      %run_scoped3A = tpu.sem_alloc : memref<!tpu.dma_semaphore, #tpu.memory_space<semaphore_mem>>
      %dma_start3A_49 = tpu.memref_slice %arg3[%add3A_12] : memref<1638400xi32, #tpu.memory_space<hbm>> -> memref<10240xi32, #tpu.memory_space<hbm>>
      %dma_start3A_50 = tpu.memref_slice %arg3[%add3A_12] : memref<1638400xi32, #tpu.memory_space<hbm>> -> memref<10240xi32, #tpu.memory_space<hbm>>
      tpu.enqueue_dma source(%dma_start3A_50 : memref<10240xi32, #tpu.memory_space<hbm>>) target(%arg5 : memref<10240xi32, #tpu.memory_space<vmem>>) target_semaphore(%run_scoped3A : memref<!tpu.dma_semaphore, #tpu.memory_space<semaphore_mem>>)
      %dma_wait3A_51 = tpu.memref_slice %arg3[%add3A_12] : memref<1638400xi32, #tpu.memory_space<hbm>> -> memref<10240xi32, #tpu.memory_space<hbm>>
      %dma_wait3A_52 = tpu.memref_slice %arg3[%add3A_12] : memref<1638400xi32, #tpu.memory_space<hbm>> -> memref<10240xi32, #tpu.memory_space<hbm>>
      tpu.wait_dma2 semaphore(%run_scoped3A : memref<!tpu.dma_semaphore, #tpu.memory_space<semaphore_mem>>) src(%dma_wait3A_52 : memref<10240xi32, #tpu.memory_space<hbm>>) dst(%arg5 : memref<10240xi32, #tpu.memory_space<vmem>>)
      tpu.yield
    }) : () -> ()
    %dma_start3A_13 = arith.constant 0 : i32
    %dma_start3A_14 = arith.constant 0 : i32
    %dma_start3A_15 = tpu.memref_slice %arg2[%dma_start3A_13, %dma_start3A_14] : memref<102400x8xf32, #tpu.memory_space<hbm>> -> memref<102400x8xf32, #tpu.memory_space<hbm>>
    tpu.enqueue_indirect_dma source(%dma_start3A_15 : memref<102400x8xf32, #tpu.memory_space<hbm>>) target(%arg6 : memref<10240x8xf32, #tpu.memory_space<vmem>>) offsets(%arg5 : memref<10240xi32, #tpu.memory_space<vmem>>) semaphore(%arg7 : memref<!tpu.dma_semaphore, #tpu.memory_space<semaphore_mem>>)
    %dma_wait3A_16 = arith.constant 0 : i32
    %dma_wait3A_17 = arith.constant 0 : i32
    %dma_wait3A_18 = tpu.memref_slice %arg2[%dma_wait3A_16, %dma_wait3A_17] : memref<102400x8xf32, #tpu.memory_space<hbm>> -> memref<102400x8xf32, #tpu.memory_space<hbm>>
    tpu.wait_indirect_dma semaphore(%arg7 : memref<!tpu.dma_semaphore, #tpu.memory_space<semaphore_mem>>) src(%dma_wait3A_18 : memref<102400x8xf32, #tpu.memory_space<hbm>>) dst(%arg6 : memref<10240x8xf32, #tpu.memory_space<vmem>>)
    "tpu.region"() ({
      %run_scoped3A = tpu.sem_alloc : memref<!tpu.dma_semaphore, #tpu.memory_space<semaphore_mem>>
      %dma_start3A_49 = arith.constant 0 : i32
      %dma_start3A_50 = tpu.memref_slice %arg4[%add3A_12, %dma_start3A_49] : memref<1638400x8xf32, #tpu.memory_space<hbm>> -> memref<10240x8xf32, #tpu.memory_space<hbm>>
      %dma_start3A_51 = arith.constant 0 : i32
      %dma_start3A_52 = tpu.memref_slice %arg4[%add3A_12, %dma_start3A_51] : memref<1638400x8xf32, #tpu.memory_space<hbm>> -> memref<10240x8xf32, #tpu.memory_space<hbm>>
      tpu.enqueue_dma source(%arg6 : memref<10240x8xf32, #tpu.memory_space<vmem>>) target(%dma_start3A_52 : memref<10240x8xf32, #tpu.memory_space<hbm>>) target_semaphore(%run_scoped3A : memref<!tpu.dma_semaphore, #tpu.memory_space<semaphore_mem>>)
      %dma_wait3A_53 = arith.constant 0 : i32
      %dma_wait3A_54 = tpu.memref_slice %arg4[%add3A_12, %dma_wait3A_53] : memref<1638400x8xf32, #tpu.memory_space<hbm>> -> memref<10240x8xf32, #tpu.memory_space<hbm>>
      %dma_wait3A_55 = arith.constant 0 : i32
      %dma_wait3A_56 = tpu.memref_slice %arg4[%add3A_12, %dma_wait3A_55] : memref<1638400x8xf32, #tpu.memory_space<hbm>> -> memref<10240x8xf32, #tpu.memory_space<hbm>>
      tpu.wait_dma2 semaphore(%run_scoped3A : memref<!tpu.dma_semaphore, #tpu.memory_space<semaphore_mem>>) src(%arg6 : memref<10240x8xf32, #tpu.memory_space<vmem>>) dst(%dma_wait3A_56 : memref<10240x8xf32, #tpu.memory_space<hbm>>)
      tpu.yield
    }) : () -> ()
    %mul3A_19 = arith.constant 51200 : i32
    %mul3A_20 = arith.muli %add3A, %mul3A_19 : i32
    %add3A_21 = arith.constant 20480 : i32
    %add3A_22 = arith.addi %mul3A_20, %add3A_21 : i32
    "tpu.region"() ({
      %run_scoped3A = tpu.sem_alloc : memref<!tpu.dma_semaphore, #tpu.memory_space<semaphore_mem>>
      %dma_start3A_49 = tpu.memref_slice %arg3[%add3A_22] : memref<1638400xi32, #tpu.memory_space<hbm>> -> memref<10240xi32, #tpu.memory_space<hbm>>
      %dma_start3A_50 = tpu.memref_slice %arg3[%add3A_22] : memref<1638400xi32, #tpu.memory_space<hbm>> -> memref<10240xi32, #tpu.memory_space<hbm>>
      tpu.enqueue_dma source(%dma_start3A_50 : memref<10240xi32, #tpu.memory_space<hbm>>) target(%arg5 : memref<10240xi32, #tpu.memory_space<vmem>>) target_semaphore(%run_scoped3A : memref<!tpu.dma_semaphore, #tpu.memory_space<semaphore_mem>>)
      %dma_wait3A_51 = tpu.memref_slice %arg3[%add3A_22] : memref<1638400xi32, #tpu.memory_space<hbm>> -> memref<10240xi32, #tpu.memory_space<hbm>>
      %dma_wait3A_52 = tpu.memref_slice %arg3[%add3A_22] : memref<1638400xi32, #tpu.memory_space<hbm>> -> memref<10240xi32, #tpu.memory_space<hbm>>
      tpu.wait_dma2 semaphore(%run_scoped3A : memref<!tpu.dma_semaphore, #tpu.memory_space<semaphore_mem>>) src(%dma_wait3A_52 : memref<10240xi32, #tpu.memory_space<hbm>>) dst(%arg5 : memref<10240xi32, #tpu.memory_space<vmem>>)
      tpu.yield
    }) : () -> ()
    %dma_start3A_23 = arith.constant 0 : i32
    %dma_start3A_24 = arith.constant 0 : i32
    %dma_start3A_25 = tpu.memref_slice %arg2[%dma_start3A_23, %dma_start3A_24] : memref<102400x8xf32, #tpu.memory_space<hbm>> -> memref<102400x8xf32, #tpu.memory_space<hbm>>
    tpu.enqueue_indirect_dma source(%dma_start3A_25 : memref<102400x8xf32, #tpu.memory_space<hbm>>) target(%arg6 : memref<10240x8xf32, #tpu.memory_space<vmem>>) offsets(%arg5 : memref<10240xi32, #tpu.memory_space<vmem>>) semaphore(%arg7 : memref<!tpu.dma_semaphore, #tpu.memory_space<semaphore_mem>>)
    %dma_wait3A_26 = arith.constant 0 : i32
    %dma_wait3A_27 = arith.constant 0 : i32
    %dma_wait3A_28 = tpu.memref_slice %arg2[%dma_wait3A_26, %dma_wait3A_27] : memref<102400x8xf32, #tpu.memory_space<hbm>> -> memref<102400x8xf32, #tpu.memory_space<hbm>>
    tpu.wait_indirect_dma semaphore(%arg7 : memref<!tpu.dma_semaphore, #tpu.memory_space<semaphore_mem>>) src(%dma_wait3A_28 : memref<102400x8xf32, #tpu.memory_space<hbm>>) dst(%arg6 : memref<10240x8xf32, #tpu.memory_space<vmem>>)
    "tpu.region"() ({
      %run_scoped3A = tpu.sem_alloc : memref<!tpu.dma_semaphore, #tpu.memory_space<semaphore_mem>>
      %dma_start3A_49 = arith.constant 0 : i32
      %dma_start3A_50 = tpu.memref_slice %arg4[%add3A_22, %dma_start3A_49] : memref<1638400x8xf32, #tpu.memory_space<hbm>> -> memref<10240x8xf32, #tpu.memory_space<hbm>>
      %dma_start3A_51 = arith.constant 0 : i32
      %dma_start3A_52 = tpu.memref_slice %arg4[%add3A_22, %dma_start3A_51] : memref<1638400x8xf32, #tpu.memory_space<hbm>> -> memref<10240x8xf32, #tpu.memory_space<hbm>>
      tpu.enqueue_dma source(%arg6 : memref<10240x8xf32, #tpu.memory_space<vmem>>) target(%dma_start3A_52 : memref<10240x8xf32, #tpu.memory_space<hbm>>) target_semaphore(%run_scoped3A : memref<!tpu.dma_semaphore, #tpu.memory_space<semaphore_mem>>)
      %dma_wait3A_53 = arith.constant 0 : i32
      %dma_wait3A_54 = tpu.memref_slice %arg4[%add3A_22, %dma_wait3A_53] : memref<1638400x8xf32, #tpu.memory_space<hbm>> -> memref<10240x8xf32, #tpu.memory_space<hbm>>
      %dma_wait3A_55 = arith.constant 0 : i32
      %dma_wait3A_56 = tpu.memref_slice %arg4[%add3A_22, %dma_wait3A_55] : memref<1638400x8xf32, #tpu.memory_space<hbm>> -> memref<10240x8xf32, #tpu.memory_space<hbm>>
      tpu.wait_dma2 semaphore(%run_scoped3A : memref<!tpu.dma_semaphore, #tpu.memory_space<semaphore_mem>>) src(%arg6 : memref<10240x8xf32, #tpu.memory_space<vmem>>) dst(%dma_wait3A_56 : memref<10240x8xf32, #tpu.memory_space<hbm>>)
      tpu.yield
    }) : () -> ()
    %mul3A_29 = arith.constant 51200 : i32
    %mul3A_30 = arith.muli %add3A, %mul3A_29 : i32
    %add3A_31 = arith.constant 30720 : i32
    %add3A_32 = arith.addi %mul3A_30, %add3A_31 : i32
    "tpu.region"() ({
      %run_scoped3A = tpu.sem_alloc : memref<!tpu.dma_semaphore, #tpu.memory_space<semaphore_mem>>
      %dma_start3A_49 = tpu.memref_slice %arg3[%add3A_32] : memref<1638400xi32, #tpu.memory_space<hbm>> -> memref<10240xi32, #tpu.memory_space<hbm>>
      %dma_start3A_50 = tpu.memref_slice %arg3[%add3A_32] : memref<1638400xi32, #tpu.memory_space<hbm>> -> memref<10240xi32, #tpu.memory_space<hbm>>
      tpu.enqueue_dma source(%dma_start3A_50 : memref<10240xi32, #tpu.memory_space<hbm>>) target(%arg5 : memref<10240xi32, #tpu.memory_space<vmem>>) target_semaphore(%run_scoped3A : memref<!tpu.dma_semaphore, #tpu.memory_space<semaphore_mem>>)
      %dma_wait3A_51 = tpu.memref_slice %arg3[%add3A_32] : memref<1638400xi32, #tpu.memory_space<hbm>> -> memref<10240xi32, #tpu.memory_space<hbm>>
      %dma_wait3A_52 = tpu.memref_slice %arg3[%add3A_32] : memref<1638400xi32, #tpu.memory_space<hbm>> -> memref<10240xi32, #tpu.memory_space<hbm>>
      tpu.wait_dma2 semaphore(%run_scoped3A : memref<!tpu.dma_semaphore, #tpu.memory_space<semaphore_mem>>) src(%dma_wait3A_52 : memref<10240xi32, #tpu.memory_space<hbm>>) dst(%arg5 : memref<10240xi32, #tpu.memory_space<vmem>>)
      tpu.yield
    }) : () -> ()
    %dma_start3A_33 = arith.constant 0 : i32
    %dma_start3A_34 = arith.constant 0 : i32
    %dma_start3A_35 = tpu.memref_slice %arg2[%dma_start3A_33, %dma_start3A_34] : memref<102400x8xf32, #tpu.memory_space<hbm>> -> memref<102400x8xf32, #tpu.memory_space<hbm>>
    tpu.enqueue_indirect_dma source(%dma_start3A_35 : memref<102400x8xf32, #tpu.memory_space<hbm>>) target(%arg6 : memref<10240x8xf32, #tpu.memory_space<vmem>>) offsets(%arg5 : memref<10240xi32, #tpu.memory_space<vmem>>) semaphore(%arg7 : memref<!tpu.dma_semaphore, #tpu.memory_space<semaphore_mem>>)
    %dma_wait3A_36 = arith.constant 0 : i32
    %dma_wait3A_37 = arith.constant 0 : i32
    %dma_wait3A_38 = tpu.memref_slice %arg2[%dma_wait3A_36, %dma_wait3A_37] : memref<102400x8xf32, #tpu.memory_space<hbm>> -> memref<102400x8xf32, #tpu.memory_space<hbm>>
    tpu.wait_indirect_dma semaphore(%arg7 : memref<!tpu.dma_semaphore, #tpu.memory_space<semaphore_mem>>) src(%dma_wait3A_38 : memref<102400x8xf32, #tpu.memory_space<hbm>>) dst(%arg6 : memref<10240x8xf32, #tpu.memory_space<vmem>>)
    "tpu.region"() ({
      %run_scoped3A = tpu.sem_alloc : memref<!tpu.dma_semaphore, #tpu.memory_space<semaphore_mem>>
      %dma_start3A_49 = arith.constant 0 : i32
      %dma_start3A_50 = tpu.memref_slice %arg4[%add3A_32, %dma_start3A_49] : memref<1638400x8xf32, #tpu.memory_space<hbm>> -> memref<10240x8xf32, #tpu.memory_space<hbm>>
      %dma_start3A_51 = arith.constant 0 : i32
      %dma_start3A_52 = tpu.memref_slice %arg4[%add3A_32, %dma_start3A_51] : memref<1638400x8xf32, #tpu.memory_space<hbm>> -> memref<10240x8xf32, #tpu.memory_space<hbm>>
      tpu.enqueue_dma source(%arg6 : memref<10240x8xf32, #tpu.memory_space<vmem>>) target(%dma_start3A_52 : memref<10240x8xf32, #tpu.memory_space<hbm>>) target_semaphore(%run_scoped3A : memref<!tpu.dma_semaphore, #tpu.memory_space<semaphore_mem>>)
      %dma_wait3A_53 = arith.constant 0 : i32
      %dma_wait3A_54 = tpu.memref_slice %arg4[%add3A_32, %dma_wait3A_53] : memref<1638400x8xf32, #tpu.memory_space<hbm>> -> memref<10240x8xf32, #tpu.memory_space<hbm>>
      %dma_wait3A_55 = arith.constant 0 : i32
      %dma_wait3A_56 = tpu.memref_slice %arg4[%add3A_32, %dma_wait3A_55] : memref<1638400x8xf32, #tpu.memory_space<hbm>> -> memref<10240x8xf32, #tpu.memory_space<hbm>>
      tpu.wait_dma2 semaphore(%run_scoped3A : memref<!tpu.dma_semaphore, #tpu.memory_space<semaphore_mem>>) src(%arg6 : memref<10240x8xf32, #tpu.memory_space<vmem>>) dst(%dma_wait3A_56 : memref<10240x8xf32, #tpu.memory_space<hbm>>)
      tpu.yield
    }) : () -> ()
    %mul3A_39 = arith.constant 51200 : i32
    %mul3A_40 = arith.muli %add3A, %mul3A_39 : i32
    %add3A_41 = arith.constant 40960 : i32
    %add3A_42 = arith.addi %mul3A_40, %add3A_41 : i32
    "tpu.region"() ({
      %run_scoped3A = tpu.sem_alloc : memref<!tpu.dma_semaphore, #tpu.memory_space<semaphore_mem>>
      %dma_start3A_49 = tpu.memref_slice %arg3[%add3A_42] : memref<1638400xi32, #tpu.memory_space<hbm>> -> memref<10240xi32, #tpu.memory_space<hbm>>
      %dma_start3A_50 = tpu.memref_slice %arg3[%add3A_42] : memref<1638400xi32, #tpu.memory_space<hbm>> -> memref<10240xi32, #tpu.memory_space<hbm>>
      tpu.enqueue_dma source(%dma_start3A_50 : memref<10240xi32, #tpu.memory_space<hbm>>) target(%arg5 : memref<10240xi32, #tpu.memory_space<vmem>>) target_semaphore(%run_scoped3A : memref<!tpu.dma_semaphore, #tpu.memory_space<semaphore_mem>>)
      %dma_wait3A_51 = tpu.memref_slice %arg3[%add3A_42] : memref<1638400xi32, #tpu.memory_space<hbm>> -> memref<10240xi32, #tpu.memory_space<hbm>>
      %dma_wait3A_52 = tpu.memref_slice %arg3[%add3A_42] : memref<1638400xi32, #tpu.memory_space<hbm>> -> memref<10240xi32, #tpu.memory_space<hbm>>
      tpu.wait_dma2 semaphore(%run_scoped3A : memref<!tpu.dma_semaphore, #tpu.memory_space<semaphore_mem>>) src(%dma_wait3A_52 : memref<10240xi32, #tpu.memory_space<hbm>>) dst(%arg5 : memref<10240xi32, #tpu.memory_space<vmem>>)
      tpu.yield
    }) : () -> ()
    %dma_start3A_43 = arith.constant 0 : i32
    %dma_start3A_44 = arith.constant 0 : i32
    %dma_start3A_45 = tpu.memref_slice %arg2[%dma_start3A_43, %dma_start3A_44] : memref<102400x8xf32, #tpu.memory_space<hbm>> -> memref<102400x8xf32, #tpu.memory_space<hbm>>
    tpu.enqueue_indirect_dma source(%dma_start3A_45 : memref<102400x8xf32, #tpu.memory_space<hbm>>) target(%arg6 : memref<10240x8xf32, #tpu.memory_space<vmem>>) offsets(%arg5 : memref<10240xi32, #tpu.memory_space<vmem>>) semaphore(%arg7 : memref<!tpu.dma_semaphore, #tpu.memory_space<semaphore_mem>>)
    %dma_wait3A_46 = arith.constant 0 : i32
    %dma_wait3A_47 = arith.constant 0 : i32
    %dma_wait3A_48 = tpu.memref_slice %arg2[%dma_wait3A_46, %dma_wait3A_47] : memref<102400x8xf32, #tpu.memory_space<hbm>> -> memref<102400x8xf32, #tpu.memory_space<hbm>>
    tpu.wait_indirect_dma semaphore(%arg7 : memref<!tpu.dma_semaphore, #tpu.memory_space<semaphore_mem>>) src(%dma_wait3A_48 : memref<102400x8xf32, #tpu.memory_space<hbm>>) dst(%arg6 : memref<10240x8xf32, #tpu.memory_space<vmem>>)
    "tpu.region"() ({
      %run_scoped3A = tpu.sem_alloc : memref<!tpu.dma_semaphore, #tpu.memory_space<semaphore_mem>>
      %dma_start3A_49 = arith.constant 0 : i32
      %dma_start3A_50 = tpu.memref_slice %arg4[%add3A_42, %dma_start3A_49] : memref<1638400x8xf32, #tpu.memory_space<hbm>> -> memref<10240x8xf32, #tpu.memory_space<hbm>>
      %dma_start3A_51 = arith.constant 0 : i32
      %dma_start3A_52 = tpu.memref_slice %arg4[%add3A_42, %dma_start3A_51] : memref<1638400x8xf32, #tpu.memory_space<hbm>> -> memref<10240x8xf32, #tpu.memory_space<hbm>>
      tpu.enqueue_dma source(%arg6 : memref<10240x8xf32, #tpu.memory_space<vmem>>) target(%dma_start3A_52 : memref<10240x8xf32, #tpu.memory_space<hbm>>) target_semaphore(%run_scoped3A : memref<!tpu.dma_semaphore, #tpu.memory_space<semaphore_mem>>)
      %dma_wait3A_53 = arith.constant 0 : i32
      %dma_wait3A_54 = tpu.memref_slice %arg4[%add3A_42, %dma_wait3A_53] : memref<1638400x8xf32, #tpu.memory_space<hbm>> -> memref<10240x8xf32, #tpu.memory_space<hbm>>
      %dma_wait3A_55 = arith.constant 0 : i32
      %dma_wait3A_56 = tpu.memref_slice %arg4[%add3A_42, %dma_wait3A_55] : memref<1638400x8xf32, #tpu.memory_space<hbm>> -> memref<10240x8xf32, #tpu.memory_space<hbm>>
      tpu.wait_dma2 semaphore(%run_scoped3A : memref<!tpu.dma_semaphore, #tpu.memory_space<semaphore_mem>>) src(%arg6 : memref<10240x8xf32, #tpu.memory_space<vmem>>) dst(%dma_wait3A_56 : memref<10240x8xf32, #tpu.memory_space<hbm>>)
      tpu.yield
    }) : () -> ()
    return
  }
}

module attributes {stable_mosaic.version = 14 : i64} {
  func.func @_edge_kernel(%arg0: i32, %arg1: memref<1x1xf32, #tpu.memory_space<smem>>, %arg2: memref<1x1xf32, #tpu.memory_space<smem>>, %arg3: memref<8192x8xf32, #tpu.memory_space<vmem>>, %arg4: memref<512x8xf32, #tpu.memory_space<vmem>>, %arg5: memref<512x16xf32, #tpu.memory_space<vmem>>, %arg6: memref<8x32xf32, #tpu.memory_space<vmem>>, %arg7: memref<1x32xf32, #tpu.memory_space<vmem>>, %arg8: memref<64x32xf32, #tpu.memory_space<vmem>>, %arg9: memref<1x32xf32, #tpu.memory_space<vmem>>, %arg10: memref<1x32xf32, #tpu.memory_space<vmem>>, %arg11: memref<512x16xf32, #tpu.memory_space<vmem>>) attributes {dimension_semantics = [#tpu.dimension_semantics<arbitrary>], iteration_bounds = array<i64: 200>, scalar_prefetch = 0 : i64, scratch_operands = 0 : i64, tpu.core_type = #tpu.core_type<tc>, window_params = [{transform_indices = @transform_0, window_bounds = array<i64: 1, 1>}, {transform_indices = @transform_1, window_bounds = array<i64: 1, 1>}, {transform_indices = @transform_2, window_bounds = array<i64: 8192, 8>}, {transform_indices = @transform_3, window_bounds = array<i64: 512, 8>}, {transform_indices = @transform_4, window_bounds = array<i64: 512, 16>}, {pipeline_mode = #tpu.pipeline_mode<synchronous>, transform_indices = @transform_5, window_bounds = array<i64: 8, 32>}, {pipeline_mode = #tpu.pipeline_mode<synchronous>, transform_indices = @transform_6, window_bounds = array<i64: 1, 32>}, {pipeline_mode = #tpu.pipeline_mode<synchronous>, transform_indices = @transform_7, window_bounds = array<i64: 64, 32>}, {pipeline_mode = #tpu.pipeline_mode<synchronous>, transform_indices = @transform_8, window_bounds = array<i64: 1, 32>}, {pipeline_mode = #tpu.pipeline_mode<synchronous>, transform_indices = @transform_9, window_bounds = array<i64: 1, 32>}, {transform_indices = @transform_10, window_bounds = array<i64: 512, 16>}]} {
    %get3A = arith.constant 0 : index
    %get3A_0 = arith.constant 0 : index
    %get3A_1 = vector.load %arg3[%get3A, %get3A_0] : memref<8192x8xf32, #tpu.memory_space<vmem>>, vector<8192x8xf32>
    %get3A_2 = arith.constant 0 : index
    %get3A_3 = arith.constant 0 : index
    %get3A_4 = vector.load %arg4[%get3A_2, %get3A_3] : memref<512x8xf32, #tpu.memory_space<vmem>>, vector<512x8xf32>
    %get3A_5 = arith.constant 0 : index
    %get3A_6 = arith.constant 0 : index
    %get3A_7 = memref.load %arg1[%get3A_5, %get3A_6] : memref<1x1xf32, #tpu.memory_space<smem>>
    %slice3A = vector.extract_strided_slice %get3A_4 {offsets = [0, 0], sizes = [512, 3], strides = [1, 1]} : vector<512x8xf32> to vector<512x3xf32>
    %slice3A_8 = vector.extract_strided_slice %get3A_4 {offsets = [0, 3], sizes = [512, 3], strides = [1, 1]} : vector<512x8xf32> to vector<512x3xf32>
    %broadcast_in_dim3A = vector.shape_cast %slice3A : vector<512x3xf32> to vector<512x1x3xf32>
    %broadcast_in_dim3A_9 = vector.shape_cast %broadcast_in_dim3A : vector<512x1x3xf32> to vector<512x1x3xf32>
    %broadcast_in_dim3A_10 = vector.broadcast %broadcast_in_dim3A_9 : vector<512x1x3xf32> to vector<512x16x3xf32>
    %reshape3A = vector.shape_cast %broadcast_in_dim3A_10 : vector<512x16x3xf32> to vector<8192x3xf32>
    %broadcast_in_dim3A_11 = vector.shape_cast %slice3A_8 : vector<512x3xf32> to vector<512x1x3xf32>
    %broadcast_in_dim3A_12 = vector.shape_cast %broadcast_in_dim3A_11 : vector<512x1x3xf32> to vector<512x1x3xf32>
    %broadcast_in_dim3A_13 = vector.broadcast %broadcast_in_dim3A_12 : vector<512x1x3xf32> to vector<512x16x3xf32>
    %reshape3A_14 = vector.shape_cast %broadcast_in_dim3A_13 : vector<512x16x3xf32> to vector<8192x3xf32>
    %slice3A_15 = vector.extract_strided_slice %get3A_1 {offsets = [0, 0], sizes = [8192, 3], strides = [1, 1]} : vector<8192x8xf32> to vector<8192x3xf32>
    %slice3A_16 = vector.extract_strided_slice %get3A_1 {offsets = [0, 3], sizes = [8192, 3], strides = [1, 1]} : vector<8192x8xf32> to vector<8192x3xf32>
    %sub3A = arith.subf %slice3A_15, %reshape3A : vector<8192x3xf32>
    %div3A = vector.broadcast %get3A_7 : f32 to vector<8192x3xf32>
    %div3A_17 = arith.divf %sub3A, %div3A : vector<8192x3xf32>
    %mul3A = arith.mulf %div3A_17, %div3A_17 : vector<8192x3xf32>
    %reduce_sum3A = arith.constant dense<0.000000e+00> : vector<8192xf32>
    %reduce_sum3A_18 = vector.multi_reduction <add>, %mul3A, %reduce_sum3A [1] : vector<8192x3xf32> to vector<8192xf32>
    %broadcast_in_dim3A_19 = vector.shape_cast %reduce_sum3A_18 : vector<8192xf32> to vector<8192x1xf32>
    %sqrt3A = math.sqrt %broadcast_in_dim3A_19 : vector<8192x1xf32>
    %mul3A_20 = arith.mulf %reshape3A_14, %slice3A_16 : vector<8192x3xf32>
    %reduce_sum3A_21 = arith.constant dense<0.000000e+00> : vector<8192xf32>
    %reduce_sum3A_22 = vector.multi_reduction <add>, %mul3A_20, %reduce_sum3A_21 [1] : vector<8192x3xf32> to vector<8192xf32>
    %broadcast_in_dim3A_23 = vector.shape_cast %reduce_sum3A_22 : vector<8192xf32> to vector<8192x1xf32>
    %mul3A_24 = arith.mulf %reshape3A_14, %div3A_17 : vector<8192x3xf32>
    %reduce_sum3A_25 = arith.constant dense<0.000000e+00> : vector<8192xf32>
    %reduce_sum3A_26 = vector.multi_reduction <add>, %mul3A_24, %reduce_sum3A_25 [1] : vector<8192x3xf32> to vector<8192xf32>
    %broadcast_in_dim3A_27 = vector.shape_cast %reduce_sum3A_26 : vector<8192xf32> to vector<8192x1xf32>
    %iota3A = tpu.iota {dimensions = array<i32: 0>} : vector<8192x16xi32>
    %jit3A = arith.constant 16 : i32
    %eq3A = arith.constant 0 : i32
    %eq3A_28 = arith.cmpi eq, %jit3A, %eq3A : i32
    %jit3A_29 = arith.constant 1 : i32
    %select_n3A = arith.select %eq3A_28, %jit3A_29, %jit3A : i32
    %rem3A = vector.broadcast %select_n3A : i32 to vector<8192x16xi32>
    %rem3A_30 = arith.remsi %iota3A, %rem3A : vector<8192x16xi32>
    %ne3A = arith.constant 0 : i32
    %ne3A_31 = vector.broadcast %ne3A : i32 to vector<8192x16xi32>
    %ne3A_32 = arith.cmpi ne, %rem3A_30, %ne3A_31 : vector<8192x16xi32>
    %lt3A = arith.constant 0 : i32
    %lt3A_33 = vector.broadcast %lt3A : i32 to vector<8192x16xi32>
    %lt3A_34 = arith.cmpi slt, %rem3A_30, %lt3A_33 : vector<8192x16xi32>
    %lt3A_35 = arith.constant 0 : i32
    %lt3A_36 = arith.cmpi slt, %select_n3A, %lt3A_35 : i32
    %ne3A_37 = vector.broadcast %lt3A_36 : i1 to vector<8192x16xi1>
    %ne3A_38 = vector.broadcast %ne3A_37 : vector<8192x16xi1> to vector<8192x16xi1>
    %ne3A_39 = arith.xori %lt3A_34, %ne3A_38 : vector<8192x16xi1>
    %and3A = arith.andi %ne3A_39, %ne3A_32 : vector<8192x16xi1>
    %add3A = vector.broadcast %select_n3A : i32 to vector<8192x16xi32>
    %add3A_40 = arith.addi %rem3A_30, %add3A : vector<8192x16xi32>
    %select_n3A_41 = arith.select %and3A, %add3A_40, %rem3A_30 : vector<8192x16xi1>, vector<8192x16xi32>
    %iota3A_42 = tpu.iota {dimensions = array<i32: 1>} : vector<8192x16xi32>
    %eq3A_43 = arith.cmpi eq, %select_n3A_41, %iota3A_42 : vector<8192x16xi32>
    %convert_element_type3A = arith.extui %eq3A_43 : vector<8192x16xi1> to vector<8192x16xi32>
    %convert_element_type3A_44 = arith.sitofp %convert_element_type3A : vector<8192x16xi32> to vector<8192x16xf32>
    %get3A_45 = arith.constant 0 : index
    %get3A_46 = arith.constant 0 : index
    %get3A_47 = vector.load %arg5[%get3A_45, %get3A_46] : memref<512x16xf32, #tpu.memory_space<vmem>>, vector<512x16xf32>
    %broadcast_in_dim3A_48 = vector.shape_cast %get3A_47 : vector<512x16xf32> to vector<512x1x16xf32>
    %broadcast_in_dim3A_49 = vector.shape_cast %broadcast_in_dim3A_48 : vector<512x1x16xf32> to vector<512x1x16xf32>
    %broadcast_in_dim3A_50 = vector.broadcast %broadcast_in_dim3A_49 : vector<512x1x16xf32> to vector<512x16x16xf32>
    %reshape3A_51 = vector.shape_cast %broadcast_in_dim3A_50 : vector<512x16x16xf32> to vector<8192x16xf32>
    %mul3A_52 = arith.mulf %reshape3A_51, %convert_element_type3A_44 : vector<8192x16xf32>
    %reduce_sum3A_53 = arith.constant dense<0.000000e+00> : vector<8192xf32>
    %reduce_sum3A_54 = vector.multi_reduction <add>, %mul3A_52, %reduce_sum3A_53 [1] : vector<8192x16xf32> to vector<8192xf32>
    %broadcast_in_dim3A_55 = vector.shape_cast %reduce_sum3A_54 : vector<8192xf32> to vector<8192x1xf32>
    %broadcast_in_dim3A_56 = arith.constant 0.000000e+00 : f32
    %broadcast_in_dim3A_57 = vector.broadcast %broadcast_in_dim3A_56 : f32 to vector<8192x1xf32>
    %concatenate3A = tpu.concatenate %div3A_17, %sqrt3A, %broadcast_in_dim3A_23, %broadcast_in_dim3A_27, %broadcast_in_dim3A_55, %broadcast_in_dim3A_57 in 1 : vector<8192x3xf32>, vector<8192x1xf32>, vector<8192x1xf32>, vector<8192x1xf32>, vector<8192x1xf32>, vector<8192x1xf32> -> vector<8192x8xf32>
    %get3A_58 = arith.constant 0 : index
    %get3A_59 = arith.constant 0 : index
    %get3A_60 = vector.load %arg6[%get3A_58, %get3A_59] : memref<8x32xf32, #tpu.memory_space<vmem>>, vector<8x32xf32>
    %dot_general3A = arith.constant dense<0.000000e+00> : vector<8192x32xf32>
    %dot_general3A_61 = tpu.matmul %concatenate3A, %get3A_60, %dot_general3A {dimension_numbers = #tpu.dot_dimension_numbers<[1], [0], [0], [1], [0, 0, 1, 1], [], []>, transpose_lhs_hint = false} : vector<8192x8xf32>, vector<8x32xf32>, vector<8192x32xf32> -> vector<8192x32xf32>
    %get3A_62 = arith.constant 0 : index
    %get3A_63 = arith.constant 0 : index
    %get3A_64 = vector.load %arg7[%get3A_62, %get3A_63] : memref<1x32xf32, #tpu.memory_space<vmem>>, vector<1x32xf32>
    %add3A_65 = vector.broadcast %get3A_64 : vector<1x32xf32> to vector<8192x32xf32>
    %add3A_66 = arith.addf %dot_general3A_61, %add3A_65 : vector<8192x32xf32>
    %max3A = arith.constant 0.000000e+00 : f32
    %max3A_67 = vector.broadcast %max3A : f32 to vector<8192x32xf32>
    %max3A_68 = arith.maximumf %add3A_66, %max3A_67 : vector<8192x32xf32>
    %reshape3A_69 = vector.shape_cast %max3A_68 : vector<8192x32xf32> to vector<512x16x32xf32>
    %slice3A_70 = vector.extract_strided_slice %reshape3A_69 {offsets = [0, 0, 0], sizes = [512, 1, 32], strides = [1, 1, 1]} : vector<512x16x32xf32> to vector<512x1x32xf32>
    %squeeze3A = vector.shape_cast %slice3A_70 : vector<512x1x32xf32> to vector<512x32xf32>
    %slice3A_71 = vector.extract_strided_slice %reshape3A_69 {offsets = [0, 1, 0], sizes = [512, 1, 32], strides = [1, 1, 1]} : vector<512x16x32xf32> to vector<512x1x32xf32>
    %squeeze3A_72 = vector.shape_cast %slice3A_71 : vector<512x1x32xf32> to vector<512x32xf32>
    %add3A_73 = arith.addf %squeeze3A, %squeeze3A_72 : vector<512x32xf32>
    %slice3A_74 = vector.extract_strided_slice %reshape3A_69 {offsets = [0, 2, 0], sizes = [512, 1, 32], strides = [1, 1, 1]} : vector<512x16x32xf32> to vector<512x1x32xf32>
    %squeeze3A_75 = vector.shape_cast %slice3A_74 : vector<512x1x32xf32> to vector<512x32xf32>
    %add3A_76 = arith.addf %add3A_73, %squeeze3A_75 : vector<512x32xf32>
    %slice3A_77 = vector.extract_strided_slice %reshape3A_69 {offsets = [0, 3, 0], sizes = [512, 1, 32], strides = [1, 1, 1]} : vector<512x16x32xf32> to vector<512x1x32xf32>
    %squeeze3A_78 = vector.shape_cast %slice3A_77 : vector<512x1x32xf32> to vector<512x32xf32>
    %add3A_79 = arith.addf %add3A_76, %squeeze3A_78 : vector<512x32xf32>
    %slice3A_80 = vector.extract_strided_slice %reshape3A_69 {offsets = [0, 4, 0], sizes = [512, 1, 32], strides = [1, 1, 1]} : vector<512x16x32xf32> to vector<512x1x32xf32>
    %squeeze3A_81 = vector.shape_cast %slice3A_80 : vector<512x1x32xf32> to vector<512x32xf32>
    %add3A_82 = arith.addf %add3A_79, %squeeze3A_81 : vector<512x32xf32>
    %slice3A_83 = vector.extract_strided_slice %reshape3A_69 {offsets = [0, 5, 0], sizes = [512, 1, 32], strides = [1, 1, 1]} : vector<512x16x32xf32> to vector<512x1x32xf32>
    %squeeze3A_84 = vector.shape_cast %slice3A_83 : vector<512x1x32xf32> to vector<512x32xf32>
    %add3A_85 = arith.addf %add3A_82, %squeeze3A_84 : vector<512x32xf32>
    %slice3A_86 = vector.extract_strided_slice %reshape3A_69 {offsets = [0, 6, 0], sizes = [512, 1, 32], strides = [1, 1, 1]} : vector<512x16x32xf32> to vector<512x1x32xf32>
    %squeeze3A_87 = vector.shape_cast %slice3A_86 : vector<512x1x32xf32> to vector<512x32xf32>
    %add3A_88 = arith.addf %add3A_85, %squeeze3A_87 : vector<512x32xf32>
    %slice3A_89 = vector.extract_strided_slice %reshape3A_69 {offsets = [0, 7, 0], sizes = [512, 1, 32], strides = [1, 1, 1]} : vector<512x16x32xf32> to vector<512x1x32xf32>
    %squeeze3A_90 = vector.shape_cast %slice3A_89 : vector<512x1x32xf32> to vector<512x32xf32>
    %add3A_91 = arith.addf %add3A_88, %squeeze3A_90 : vector<512x32xf32>
    %slice3A_92 = vector.extract_strided_slice %reshape3A_69 {offsets = [0, 8, 0], sizes = [512, 1, 32], strides = [1, 1, 1]} : vector<512x16x32xf32> to vector<512x1x32xf32>
    %squeeze3A_93 = vector.shape_cast %slice3A_92 : vector<512x1x32xf32> to vector<512x32xf32>
    %add3A_94 = arith.addf %add3A_91, %squeeze3A_93 : vector<512x32xf32>
    %slice3A_95 = vector.extract_strided_slice %reshape3A_69 {offsets = [0, 9, 0], sizes = [512, 1, 32], strides = [1, 1, 1]} : vector<512x16x32xf32> to vector<512x1x32xf32>
    %squeeze3A_96 = vector.shape_cast %slice3A_95 : vector<512x1x32xf32> to vector<512x32xf32>
    %add3A_97 = arith.addf %add3A_94, %squeeze3A_96 : vector<512x32xf32>
    %slice3A_98 = vector.extract_strided_slice %reshape3A_69 {offsets = [0, 10, 0], sizes = [512, 1, 32], strides = [1, 1, 1]} : vector<512x16x32xf32> to vector<512x1x32xf32>
    %squeeze3A_99 = vector.shape_cast %slice3A_98 : vector<512x1x32xf32> to vector<512x32xf32>
    %add3A_100 = arith.addf %add3A_97, %squeeze3A_99 : vector<512x32xf32>
    %slice3A_101 = vector.extract_strided_slice %reshape3A_69 {offsets = [0, 11, 0], sizes = [512, 1, 32], strides = [1, 1, 1]} : vector<512x16x32xf32> to vector<512x1x32xf32>
    %squeeze3A_102 = vector.shape_cast %slice3A_101 : vector<512x1x32xf32> to vector<512x32xf32>
    %add3A_103 = arith.addf %add3A_100, %squeeze3A_102 : vector<512x32xf32>
    %slice3A_104 = vector.extract_strided_slice %reshape3A_69 {offsets = [0, 12, 0], sizes = [512, 1, 32], strides = [1, 1, 1]} : vector<512x16x32xf32> to vector<512x1x32xf32>
    %squeeze3A_105 = vector.shape_cast %slice3A_104 : vector<512x1x32xf32> to vector<512x32xf32>
    %add3A_106 = arith.addf %add3A_103, %squeeze3A_105 : vector<512x32xf32>
    %slice3A_107 = vector.extract_strided_slice %reshape3A_69 {offsets = [0, 13, 0], sizes = [512, 1, 32], strides = [1, 1, 1]} : vector<512x16x32xf32> to vector<512x1x32xf32>
    %squeeze3A_108 = vector.shape_cast %slice3A_107 : vector<512x1x32xf32> to vector<512x32xf32>
    %add3A_109 = arith.addf %add3A_106, %squeeze3A_108 : vector<512x32xf32>
    %slice3A_110 = vector.extract_strided_slice %reshape3A_69 {offsets = [0, 14, 0], sizes = [512, 1, 32], strides = [1, 1, 1]} : vector<512x16x32xf32> to vector<512x1x32xf32>
    %squeeze3A_111 = vector.shape_cast %slice3A_110 : vector<512x1x32xf32> to vector<512x32xf32>
    %add3A_112 = arith.addf %add3A_109, %squeeze3A_111 : vector<512x32xf32>
    %slice3A_113 = vector.extract_strided_slice %reshape3A_69 {offsets = [0, 15, 0], sizes = [512, 1, 32], strides = [1, 1, 1]} : vector<512x16x32xf32> to vector<512x1x32xf32>
    %squeeze3A_114 = vector.shape_cast %slice3A_113 : vector<512x1x32xf32> to vector<512x32xf32>
    %add3A_115 = arith.addf %add3A_112, %squeeze3A_114 : vector<512x32xf32>
    %broadcast_in_dim3A_116 = vector.shape_cast %add3A_115 : vector<512x32xf32> to vector<512x1x32xf32>
    %broadcast_in_dim3A_117 = vector.shape_cast %broadcast_in_dim3A_116 : vector<512x1x32xf32> to vector<512x1x32xf32>
    %broadcast_in_dim3A_118 = vector.broadcast %broadcast_in_dim3A_117 : vector<512x1x32xf32> to vector<512x16x32xf32>
    %reshape3A_119 = vector.shape_cast %broadcast_in_dim3A_118 : vector<512x16x32xf32> to vector<8192x32xf32>
    %concatenate3A_120 = tpu.concatenate %max3A_68, %reshape3A_119 in 1 : vector<8192x32xf32>, vector<8192x32xf32> -> vector<8192x64xf32>
    %get3A_121 = arith.constant 0 : index
    %get3A_122 = arith.constant 0 : index
    %get3A_123 = vector.load %arg8[%get3A_121, %get3A_122] : memref<64x32xf32, #tpu.memory_space<vmem>>, vector<64x32xf32>
    %dot_general3A_124 = arith.constant dense<0.000000e+00> : vector<8192x32xf32>
    %dot_general3A_125 = tpu.matmul %concatenate3A_120, %get3A_123, %dot_general3A_124 {dimension_numbers = #tpu.dot_dimension_numbers<[1], [0], [0], [1], [0, 0, 1, 1], [], []>, transpose_lhs_hint = false} : vector<8192x64xf32>, vector<64x32xf32>, vector<8192x32xf32> -> vector<8192x32xf32>
    %get3A_126 = arith.constant 0 : index
    %get3A_127 = arith.constant 0 : index
    %get3A_128 = vector.load %arg9[%get3A_126, %get3A_127] : memref<1x32xf32, #tpu.memory_space<vmem>>, vector<1x32xf32>
    %add3A_129 = vector.broadcast %get3A_128 : vector<1x32xf32> to vector<8192x32xf32>
    %add3A_130 = arith.addf %dot_general3A_125, %add3A_129 : vector<8192x32xf32>
    %max3A_131 = arith.constant 0.000000e+00 : f32
    %max3A_132 = vector.broadcast %max3A_131 : f32 to vector<8192x32xf32>
    %max3A_133 = arith.maximumf %add3A_130, %max3A_132 : vector<8192x32xf32>
    %convert_element_type3A_134 = arith.truncf %max3A_133 : vector<8192x32xf32> to vector<8192x32xbf16>
    %convert_element_type3A_135 = arith.extf %convert_element_type3A_134 : vector<8192x32xbf16> to vector<8192x32xf32>
    %get3A_136 = arith.constant 0 : index
    %get3A_137 = arith.constant 0 : index
    %get3A_138 = vector.load %arg10[%get3A_136, %get3A_137] : memref<1x32xf32, #tpu.memory_space<vmem>>, vector<1x32xf32>
    %convert_element_type3A_139 = arith.truncf %get3A_138 : vector<1x32xf32> to vector<1x32xbf16>
    %convert_element_type3A_140 = arith.extf %convert_element_type3A_139 : vector<1x32xbf16> to vector<1x32xf32>
    %mul3A_141 = vector.broadcast %convert_element_type3A_140 : vector<1x32xf32> to vector<8192x32xf32>
    %mul3A_142 = arith.mulf %convert_element_type3A_135, %mul3A_141 : vector<8192x32xf32>
    %reduce_sum3A_143 = arith.constant dense<0.000000e+00> : vector<8192xf32>
    %reduce_sum3A_144 = vector.multi_reduction <add>, %mul3A_142, %reduce_sum3A_143 [1] : vector<8192x32xf32> to vector<8192xf32>
    %broadcast_in_dim3A_145 = vector.shape_cast %reduce_sum3A_144 : vector<8192xf32> to vector<8192x1xf32>
    %get3A_146 = arith.constant 0 : index
    %get3A_147 = arith.constant 0 : index
    %get3A_148 = memref.load %arg2[%get3A_146, %get3A_147] : memref<1x1xf32, #tpu.memory_space<smem>>
    %add3A_149 = vector.broadcast %get3A_148 : f32 to vector<8192x1xf32>
    %add3A_150 = arith.addf %broadcast_in_dim3A_145, %add3A_149 : vector<8192x1xf32>
    %neg3A = arith.constant 0.000000e+00 : f32
    %neg3A_151 = vector.broadcast %neg3A : f32 to vector<8192x1xf32>
    %neg3A_152 = arith.subf %neg3A_151, %add3A_150 : vector<8192x1xf32>
    %exp3A = math.exp %neg3A_152 : vector<8192x1xf32>
    %add3A_153 = arith.constant 1.000000e+00 : f32
    %add3A_154 = vector.broadcast %add3A_153 : f32 to vector<8192x1xf32>
    %add3A_155 = arith.addf %add3A_154, %exp3A : vector<8192x1xf32>
    %div3A_156 = arith.constant 1.000000e+00 : f32
    %div3A_157 = vector.broadcast %div3A_156 : f32 to vector<8192x1xf32>
    %div3A_158 = arith.divf %div3A_157, %add3A_155 : vector<8192x1xf32>
    %mul3A_159 = vector.broadcast %div3A_158 : vector<8192x1xf32> to vector<8192x16xf32>
    %mul3A_160 = arith.mulf %mul3A_159, %convert_element_type3A_44 : vector<8192x16xf32>
    %reshape3A_161 = vector.shape_cast %mul3A_160 : vector<8192x16xf32> to vector<512x16x16xf32>
    %reduce_sum3A_162 = arith.constant dense<0.000000e+00> : vector<512x16xf32>
    %reduce_sum3A_163 = vector.multi_reduction <add>, %reshape3A_161, %reduce_sum3A_162 [1] : vector<512x16x16xf32> to vector<512x16xf32>
    %swap3A = arith.constant 0 : index
    %swap3A_164 = arith.constant 0 : index
    %swap3A_165 = vector.load %arg11[%swap3A, %swap3A_164] : memref<512x16xf32, #tpu.memory_space<vmem>>, vector<512x16xf32>
    tpu.vector_store %arg11[%swap3A, %swap3A_164], %reduce_sum3A_163 {strides = array<i32>} : memref<512x16xf32, #tpu.memory_space<vmem>>, vector<512x16xf32>,
    return
  }
  func.func @transform_0(%arg0: i32) -> (i32, i32) {
    %c0_i32 = arith.constant 0 : i32
    %c0_i32_0 = arith.constant 0 : i32
    %c0_i32_1 = arith.constant 0 : i32
    return %c0_i32, %c0_i32_0 : i32, i32
  }
  func.func @transform_1(%arg0: i32) -> (i32, i32) {
    %c0_i32 = arith.constant 0 : i32
    %c0_i32_0 = arith.constant 0 : i32
    %c0_i32_1 = arith.constant 0 : i32
    return %c0_i32, %c0_i32_0 : i32, i32
  }
  func.func @transform_2(%arg0: i32) -> (i32, i32) {
    %c0_i32 = arith.constant 0 : i32
    %c0_i32_0 = arith.constant 0 : i32
    return %arg0, %c0_i32 : i32, i32
  }
  func.func @transform_3(%arg0: i32) -> (i32, i32) {
    %c0_i32 = arith.constant 0 : i32
    %c0_i32_0 = arith.constant 0 : i32
    return %arg0, %c0_i32 : i32, i32
  }
  func.func @transform_4(%arg0: i32) -> (i32, i32) {
    %c0_i32 = arith.constant 0 : i32
    %c0_i32_0 = arith.constant 0 : i32
    return %arg0, %c0_i32 : i32, i32
  }
  func.func @transform_5(%arg0: i32) -> (i32, i32) {
    %c0_i32 = arith.constant 0 : i32
    %c0_i32_0 = arith.constant 0 : i32
    %c0_i32_1 = arith.constant 0 : i32
    return %c0_i32, %c0_i32_0 : i32, i32
  }
  func.func @transform_6(%arg0: i32) -> (i32, i32) {
    %c0_i32 = arith.constant 0 : i32
    %c0_i32_0 = arith.constant 0 : i32
    %c0_i32_1 = arith.constant 0 : i32
    return %c0_i32, %c0_i32_0 : i32, i32
  }
  func.func @transform_7(%arg0: i32) -> (i32, i32) {
    %c0_i32 = arith.constant 0 : i32
    %c0_i32_0 = arith.constant 0 : i32
    %c0_i32_1 = arith.constant 0 : i32
    return %c0_i32, %c0_i32_0 : i32, i32
  }
  func.func @transform_8(%arg0: i32) -> (i32, i32) {
    %c0_i32 = arith.constant 0 : i32
    %c0_i32_0 = arith.constant 0 : i32
    %c0_i32_1 = arith.constant 0 : i32
    return %c0_i32, %c0_i32_0 : i32, i32
  }
  func.func @transform_9(%arg0: i32) -> (i32, i32) {
    %c0_i32 = arith.constant 0 : i32
    %c0_i32_0 = arith.constant 0 : i32
    %c0_i32_1 = arith.constant 0 : i32
    return %c0_i32, %c0_i32_0 : i32, i32
  }
  func.func @transform_10(%arg0: i32) -> (i32, i32) {
    %c0_i32 = arith.constant 0 : i32
    %c0_i32_0 = arith.constant 0 : i32
    return %arg0, %c0_i32 : i32, i32
  }
}

</mosaic_0001>

<sc_bundles>
// kernel: gather_offload_async_start
scs
__scs_entry_jumppad:
0x0: {  	(pc) =	sbr.rel $0x88, $3  }
0x1: {  	(tag) =	ssettag $0x0;
	lr =	simm.s32 $0x1  }
0x2: {  	[smem:$0x3F96] =	sst lr;
	_ =	strace $0xD0000000  }
0x3: {  	_ = 	snop  }
0x4: {  	_ = 	snop  }
0x5: {  	_ = 	snop  }
0x6: {  	_ = 	snop  }
0x7: {  	_ = 	snop  }
__scs_overlays_trampoline_lowered:
0x8: {  	[smem:$0x3FA5] =	sst s0  }
0x9: {  	[smem:$0x3FA6] =	sst s1  }
0xa: {  	[smem:$0x3FA7] =	sst s2  }
0xb: {  	[smem:$0x3FA8] =	sst s3  }
0xc: {  	[smem:$0x3FA9] =	sst s4  }
0xd: {  	[smem:$0x3FAA] =	sst s5  }
0xe: {  	[smem:$0x3FAB] =	sst s6  }
0xf: {  	[smem:$0x3FAC] =	sst s7  }
0x10: {  	[smem:$0x3FAD] =	sst s8  }
0x11: {  	[smem:$0x3FAE] =	sst s9;
	s0 =	simm.s32 @!p0 $0x0  }
0x12: {  	s1 =	sld [smem:$0x3F94];
	s0 =	simm.s32 @p0 $0x1  }
0x13: {  	[smem:$0x3FAF] =	sst s0;
	s0 =	simm.s32 @!p1 $0x0  }
0x14: {  	s2 =	sld [smem:$0x3F93];
	s0 =	simm.s32 @p1 $0x1  }
0x15: {  	[smem:$0x3FB0] =	sst s0;
	s0 =	simm.s32 @!p2 $0x0  }
0x16: {  	s3 =	sld [smem:$0x3FDB];
	s0 =	simm.s32 @p2 $0x1  }
0x17: {  	s4 =	simm.s32 $0x1BF5;
	[smem:$0x3FB2] =	sst s0  }
0x18: {  	s0 =	sld [smem:$0x3F95];
	_ =	swait.ge [sflag:s4], $0x0  }
0x19: {  	s7 =	sld [smem:$0x3F96]  }
0x1a: {  	s8 =	sadd.s32 $0xFFFFE003, lr  }
0x1b: {  	s9 =	sadd.s32 $0xFFFFFEF7, lr;
	s5 =	simm.s32 $0xFFFFFFFF;
	p2 =	slt.u32 s8, $0xFFFFF086  }
0x1c: {  	p1 =	slt.u32 s9, $0xF7A;
	s5 =	simm.s32 @!p2 $0x0  }
0x1d: {  	s5 =	simm.s32 @p1 $0x1;
	p0 =	seq.s32 s7, s2  }
0x1e: {  	s7 =	smul.u32 @!p0 $0xF7A, s2;
	p2 =	seq.s32 @!p0 s5, $0x0  }
0x1f: {  	s9 =	smul.u32 $0xF7A, s1;
	s8 =	simm.s32 @!p0 $0x1BF5;
	p2 =	por !p2, p0  }
0x20: {  	[sflag:s8] =	ssyncset.s32 @!p0 $0xFFFFF086;
	s6 =	sadd.s32 @!p0 s3, s7;
	s7 =	simm.s32 @!p0 $0x108  }
0x21: {  	s3 =	sadd.s32 s3, s9;
	s6 =	sadd.s32 @!p0 $0x88, s6;
	s7 =	simm.s32 @p2 $0x1082  }
0x22: {  	[simem:s7], [sflag:s8] =	dma.local @!p0 [hbm:s6], $0xF7A  }
0x23: {  	s9 =	sor.u32 $0xD0000000, s2;
	s6 =	simm.s32 $0x108;
	_ =	swait.ge @!p0 [sflag:s8], $0x0  }
0x24: {  	s3 =	sadd.s32 $0x88, s3;
	s6 =	simm.s32 @!p1 $0x1082;
	[sflag:s4] =	ssyncset.s32 $0xFFFFF086  }
0x25: {  	[simem:s6], [sflag:s4] =	dma.local [hbm:s3], $0xF7A  }
0x26: {  	[smem:$0x3F96] =	sst s1;
	(tag) =	ssettag s2;
	_ =	strace s9  }
0x27: {  	s1 =	sld [smem:$0x3FA6]  }
0x28: {  	s2 =	sld [smem:$0x3FA7]  }
0x29: {  	s4 =	sld [smem:$0x3FA9]  }
0x2a: {  	p0 =	seq.s32 s5, $0x0;
	s5 =	sld [smem:$0x3FAA]  }
0x2b: {  	s6 =	sld [smem:$0x3FAB]  }
0x2c: {  	s7 =	sld [smem:$0x3FAC]  }
0x2d: {  	s3 =	simm.s32 $0x108;
	s8 =	sld [smem:$0x3FAD]  }
0x2e: {  	s3 =	simm.s32 @!p0 $0x1082;
	s9 =	sld [smem:$0x3FAE]  }
0x2f: {  	lr =	sadd.s32 s0, s3;
	s0 =	sld [smem:$0x3FA5]  }
0x30: {  	s3 =	sld [smem:$0x3FA8]  }
0x31: {  	[smem:$0x3FB1] =	sst s10  }
0x32: {  	s10 =	sld [smem:$0x3FAF];
	_ =	sdelay $0x3  }
0x33: {  	p0 =	seq.s32 s10, $0x1;
	s10 =	sld [smem:$0x3FB1];
	_ =	sdelay $0x3  }
0x34: {  	[smem:$0x3FB1] =	sst s10  }
0x35: {  	s10 =	sld [smem:$0x3FB0];
	_ =	sdelay $0x3  }
0x36: {  	p1 =	seq.s32 s10, $0x1;
	s10 =	sld [smem:$0x3FB1];
	_ =	sdelay $0x3  }
0x37: {  	[smem:$0x3FB1] =	sst s10  }
0x38: {  	s10 =	sld [smem:$0x3FB2]  }
0x39: {  	_ = 	snop;
	(pc) =	sbr.ind lr, $3  }
0x3a: {  	_ = 	snop  }
0x3b: {  	_ = 	snop  }
0x3c: {  	p2 =	seq.s32 s10, $0x1;
	s10 =	sld [smem:$0x3FB1]  }
0x3d: {  	_ =	shalt  }
0x3e: {  	_ =	shalt  }
0x3f: {  	_ =	shalt  }
0x40: {  	_ =	shalt  }
0x41: {  	_ =	shalt  }
0x42: {  	_ =	shalt  }
0x43: {  	_ =	shalt  }
0x44: {  	_ =	shalt  }
0x45: {  	_ =	shalt  }
0x46: {  	_ =	shalt  }
0x47: {  	_ =	shalt  }
0x48: {  	_ =	shalt  }
0x49: {  	_ =	shalt  }
0x4a: {  	_ =	shalt  }
0x4b: {  	_ =	shalt  }
0x4c: {  	_ =	shalt  }
0x4d: {  	_ =	shalt  }
0x4e: {  	_ =	shalt  }
0x4f: {  	_ =	shalt  }
0x50: {  	_ =	shalt  }
0x51: {  	_ =	shalt  }
0x52: {  	_ =	shalt  }
0x53: {  	_ =	shalt  }
0x54: {  	_ =	shalt  }
0x55: {  	_ =	shalt  }
0x56: {  	_ =	shalt  }
0x57: {  	_ =	shalt  }
0x58: {  	_ =	shalt  }
0x59: {  	_ =	shalt  }
0x5a: {  	_ =	shalt  }
0x5b: {  	_ =	shalt  }
0x5c: {  	_ =	shalt  }
0x5d: {  	_ =	shalt  }
0x5e: {  	_ =	shalt  }
0x5f: {  	_ =	shalt  }
0x60: {  	_ =	shalt  }
0x61: {  	_ =	shalt  }
0x62: {  	_ =	shalt  }
0x63: {  	_ =	shalt  }
0x64: {  	_ =	shalt  }
0x65: {  	_ =	shalt  }
0x66: {  	_ =	shalt  }
0x67: {  	_ =	shalt  }
0x68: {  	_ =	shalt  }
0x69: {  	_ =	shalt  }
0x6a: {  	_ =	shalt  }
0x6b: {  	_ =	shalt  }
0x6c: {  	_ =	shalt  }
0x6d: {  	_ =	shalt  }
0x6e: {  	_ =	shalt  }
0x6f: {  	_ =	shalt  }
0x70: {  	_ =	shalt  }
0x71: {  	_ =	shalt  }
0x72: {  	_ =	shalt  }
0x73: {  	_ =	shalt  }
0x74: {  	_ =	shalt  }
0x75: {  	_ =	shalt  }
0x76: {  	_ =	shalt  }
0x77: {  	_ =	shalt  }
0x78: {  	_ =	shalt  }
0x79: {  	_ =	shalt  }
0x7a: {  	_ =	shalt  }
0x7b: {  	_ =	shalt  }
0x7c: {  	_ =	shalt  }
0x7d: {  	_ =	shalt  }
0x7e: {  	_ =	shalt  }
0x7f: {  	_ =	shalt  }
0x80: {  	_ =	shalt  }
0x81: {  	_ =	shalt  }
0x82: {  	_ =	shalt  }
0x83: {  	_ =	shalt  }
0x84: {  	_ =	shalt  }
0x85: {  	_ =	shalt  }
0x86: {  	_ =	shalt  }
0x87: {  	_ =	shalt  }
.Lfunc_end0:
.L_simem_size_0:
called_computation_lowered:
.L_overlay_start_0:
0x88: {  	s2 =	sld [smem:$0x3FD9]  }
0x89: {  	s3 =	sld [smem:$0x3FFE];
	_ =	sdelay $0x1  }
0x8a: {  	s1 =	srdreg.scid  }
0x8b: {  	s0 =	sand.u32 $0x1, s1  }
0x8c: {  	s16 =	sshll.u32 s0, $0xA;
	s2 =	sadd.s32 s3, s2  }
0x8d: {  	s2 =	sadd.s32 s2, s16  }
0x8e: {  	[smem:$0x3FBD] =	sst s2  }
0x8f: {  	_ = 	snop  }
0x90: {  	(tm) =	ssettm $0x1  }
0x91: {  	s17 =	sld [smem:$0x3FFB];
	_ =	sdelay $0x3  }
0x92: {  	_ =	strace s17  }
0x93: {  	s2 =	sld [smem:$0x3FFC];
	_ =	sdelay $0x3  }
0x94: {  	_ =	strace s2  }
0x95: {  	s2 =	sld [smem:$0x3FFD];
	_ =	sdelay $0x3  }
0x96: {  	_ =	strace s2  }
0x97: {  	_ =	strace $0x8FFFFFFF  }
0x98: {  	s18 =	sld [smem:$0x3FDB];
	_ =	sdelay $0x1  }
0x99: {  	s19 =	simm.s32 $_scs_section_size  }
0x9a: {  	s4 =	simm.s32 $_size__tile_overlayer_lowered;
	s5 =	simm.s32 $_tile_overlayer_lowered  }
0x9b: {  	s22 =	simm.s32 $0x1BFF;
	s21 =	sshll.u32 s5, $0x1;
	s2 =	sadd.s32 s19, s18  }
0x9c: {  	s6 =	simm.s32 $0x0;
	s20 =	sshll.u32 s4, $0x1;
	s4 =	sadd.s32 s21, s2  }
0x9d: {  	[timem:s6], [sflag:s22] =	dma.local [hbm:s4], s20  }
0x9e: {  	_ =	swait.ge [sflag:s22], s20  }
0x9f: {  	s3 =	ssub.s32 $0x0, s20;
	[sflag:s22] =	ssyncset.done $0x0  }
0xa0: {  	[sflag:s22] =	ssyncadd.s32 s3;
	_ =	sdelay $0x1  }
0xa1: {  	s23 =	simm.s32 $0x1B8B  }
0xa2: {  	_ =	swait.ge [sflag:s23], $0x1  }
0xa3: {  	[sflag:s23] =	ssyncset.done $0x0  }
0xa4: {  	s25 =	simm.s32 $0x1B8E;
	s24 =	sld [smem:$0x3FFE];
	[sflag:s23] =	ssyncadd.s32 $0xFFFFFFFF  }
0xa5: {  	s26 =	simm.s32 $execute0_lowered;
	[smem:$0x3FD2] =	sst s25  }
0xa6: {  	s4 =	sshll.u32 s26, $0x1;
	_ =	strace $0x80000049;
	[dreg:$0x1] =	wrdreg $0xFFFFFFFF  }
0xa7: {  	s28 =	simm.s32 $_size_execute0_lowered;
	s2 =	sadd.s32 s2, s4;
	[dreg:$0x0] =	wrdreg $0x0  }
0xa8: {  	s4 =	sshll.u32 s28, $0x1;
	[dreg:$0x2] =	wrdreg s2  }
0xa9: {  	[dreg:$0x3] =	wrdreg s4  }
0xaa: {  	[dreg:$0x4] =	wrdreg $0xC0  }
0xab: {  	_ =	task [dreg:s6], $0x5FFFF  }
0xac: {  	[dreg:$0x1] =	wrdreg $0xFFFFFFFF  }
0xad: {  	[dreg:$0x0] =	wrdreg $0x60  }
0xae: {  	[dreg:$0x2] =	wrdreg s24  }
0xaf: {  	[dreg:$0x3] =	wrdreg $0x9  }
0xb0: {  	_ =	task.clear_ibuf [dreg:s6], $0x4FFFF;
	_ =	strace $0x90000049  }
0xb1: {  	s29 =	simm.s32 $0x9;
	_ =	strace $0x8000004B  }
0xb2: {  	_ =	swait.ge [sflag:s29], $0x1  }
0xb3: {  	[sflag:s29] =	ssyncadd.s32 $0xFFFFFFFF  }
0xb4: {  	_ =	strace $0x9000004B  }
0xb5: {  	_ =	sfence  }
0xb6: {  	s30 =	sld [smem:$0x0];
	_ =	sdelay $0x2  }
0xb7: {  	s31 =	sshll.u32 s1, $0xD;
	s1 =	sshrl.u32 s1, $0x2  }
0xb8: {  	s3 =	sand.u32 $0x4000, s31;
	s1 =	sadd.s32 s1, s30  }
0xb9: {  	s0 =	sor.u32 s3, s0;
	s1 =	sshll.u32 s1, $0x11  }
0xba: {  	s0 =	sor.u32 s1, s0  }
0xbb: {  	s0 =	sadd.s32 $0x8F2B, s0  }
0xbc: {  	[sflag:s0] =	ssyncadd.remote.s32 $0x1  }
0xbd: {  	_ =	sfence.sel $0xFFFF  }
0xbe: {  	[dreg:$0x0] =	wrdreg $0xFFFFFFFF;
	(pc) =	sbr.abs _section_cstart, $3  }
0xbf: {  	[dreg:$0x1] =	wrdreg $0xFFFFFFFF  }
0xc0: {  	_ =	task.clear_ibuf [dreg:s6], $0x2FFFF;
	_ =	strace $0x9FFFFFFF  }
0xc1: {  	(tm) =	ssettm $0x7FFFFFFF  }
tec
execute0_lowered:
.L_overlay_start_1:
0x0: {  	(tag) =	ssettag $0x1  }
0x1: {  	s1 =	srdreg.scid  }
0x2: {  	s0 =	stileid.u32;
	s2 =	rddreg [dreg:$0x0];
	s6 =	simm.s32 $0x1  }
0x3: {  	s9 =	simm.s32 $0x1;
	s10 =	simm.s32 $0x3;
	s1 =	sshll.u32 s1, $0x7  }
0x4: {  	s13 =	simm.s32 $0x0;
	s3 =	sshll.u32 s0, $0x8;
	s4 =	sand.u32 $0x80, s1  }
0x5: {  	s12 =	simm.s32 $0x0;
	s5 =	sadd.s32 $0x1B9200, s2;
	s3 =	sor.u32 s3, s4  }
0x6: {  	s1 =	rddreg [dreg:$0x1];
	_ =	strace $0x8000004A;
	s8 =	ssub.s32 $0x49400, s3  }
.Ltmp0:
0x7: {  	s4 =	sadd.s32 $0x9400, s2;
	s7 =	sand.u32 $0xF80, s8;
	(pc) =	sbr.rel .LBB2_1-.Ltmp0, $4  }
0x8: {  	[sflag:s6] =	ssyncpa.u1 $0x0;
	s11 =	smov.u32 s3;
	p0 =	sne.s32 s7, $0x0  }
0x9: {  	s8 =	sshrl.u32 s8, $0xC;
	s7 =	simm.s32 $0x2;
	s9 =	simm.s32 @!p0 $0x0  }
0xa: {  	[sflag:s7] =	ssyncpa.u1 $0x0;
	p0 =	por $0x0, $0x0;
	s8 =	sadd.s32 s9, s8  }
0xb: {  	vm0 =	vmmov $0xffff;
	v0 =	vlaneseq.u32;
	[sflag:s10] =	ssyncpa.u1 $0x0;
	s10 =	simm.s32 $0x0;
	s9 =	sadd.s32 $0x1, s8  }
.LBB2_4:
0xc: {  	_ =	sdelay $0x3  }
0xd: {  	[tilespmem:s21], [sflag:$0x1] =	stream.indirect_vreg.gather [hbm4b:s4+s10], $0x1, v1, vm0, $0x4038;
	[tilespmem:$0x500] =	vst v63  }
0xe: {  	s15 =	sadd.s32 s17, s15  }
0xf: {  	v1 =	vld.msk [tilespmem:s15+$0x0 ss:$0x1], $0xffff;
	_ =	sdelay $0x4  }
0x10: {  	v2 =	vshrl.u32 v1, $0x11  }
0x11: {  	vm1 =	veq.s32 v1, $0x80000000;
	v1 =	vand.u32 $0x1FFFF, v1;
	v2 =	vand.u32 $0x3, v2  }
0x12: {  	p1 =	sgt.s32 s18, $0x0;
	v1 =	vsel vm1, $0xFFFFFFFF, v1;
	v2 =	vmul.u32 $0x61C00, v2  }
0x13: {  	s18 =	simm.s32 @!p1 $0x0;
	v3 =	vshll.u32 v1, $0x2  }
0x14: {  	s26 =	smin.u32 s18, $0x10;
	v3 =	vand.u32 $0xFFFFFE00, v3;
	v2 =	vsel vm1, $0xFFF9E400, v2  }
0x15: {  	v1 =	vand.u32 $0x7F, v1;
	v2 =	vadd.s32 v3, v2;
	v3 =	vmov s26  }
0x16: {  	v1 =	vor.u32 v1, v2;
	vm1 =	vgt.u32 v3, v0  }
0x17: {  	v2 =	vnsel vm1, $0x7FFFFFFF, v1;
	_ =	sdelay $0x1  }
0x18: {  	v3 =	vor.u32 $0x80, v1  }
0x19: {  	(ifvalue) =	ssetifvalue $0x7FFFFFFF;
	v3 =	vnsel vm1, $0x7FFFFFFF, v3  }
0x1a: {  	s28 =	sadd.s32 s17, s16;
	(ifvalue) =	ssetifvalue $0x7FFFFFFF  }
0x1b: {  	v4 =	vor.u32 $0x100, v1;
	[tilespmem:s28], [sflag:$0x1] =	stream.indirect_vreg.gather [hbm4b:s4+s10], $0x1, v2, vm0, $0x4038;
	[tilespmem:$0x500] =	vst v63  }
0x1c: {  	(ifvalue) =	ssetifvalue $0x7FFFFFFF;
	v2 =	vnsel vm1, $0x7FFFFFFF, v4  }
0x1d: {  	s16 =	sadd.s32 $0x80, s28;
	(ifvalue) =	ssetifvalue $0x7FFFFFFF  }
0x1e: {  	v1 =	vor.u32 $0x180, v1;
	[tilespmem:s16], [sflag:$0x1] =	stream.indirect_vreg.gather [hbm4b:s4+s10], $0x1, v3, vm0, $0x4038;
	[tilespmem:$0x500] =	vst v63  }
0x1f: {  	v1 =	vnsel vm1, $0x7FFFFFFF, v1;
	(ifvalue) =	ssetifvalue $0x7FFFFFFF  }
0x20: {  	s29 =	sadd.s32 $0x100, s28;
	(ifvalue) =	ssetifvalue $0x7FFFFFFF  }
0x21: {  	[tilespmem:s29], [sflag:$0x1] =	stream.indirect_vreg.gather [hbm4b:s4+s10], $0x1, v2, vm0, $0x4038;
	[tilespmem:$0x500] =	vst v63  }
0x22: {  	(ifvalue) =	ssetifvalue $0x7FFFFFFF  }
0x23: {  	s30 =	sshll.u32 s13, $0x2;
	s15 =	sadd.s32 $0x180, s28;
	(ifvalue) =	ssetifvalue $0x7FFFFFFF  }
0x24: {  	[tilespmem:s15], [sflag:$0x1] =	stream.indirect_vreg.gather [hbm4b:s4+s10], $0x1, v1, vm0, $0x4038;
	[tilespmem:$0x500] =	vst v63  }
0x25: {  	s31 =	sand.u32 $0x78, s13;
	s15 =	sand.u32 $0xFFFFFE00, s30  }
0x26: {  	_ =	swait.ge [sflag:s6], $0x200;
	s13 =	sor.u32 s31, s15  }
0x27: {  	[sflag:s6] =	ssyncset.done $0x0;
	s13 =	sshrl.u32 s13, $0x3  }
0x28: {  	[sflag:s6] =	ssyncadd.s32 $0xFFFFFE00;
	s13 =	sadd.s32 s5, s13  }
0x29: {  	[hbm:s13] =	stream.linear.scatter [tilespmem:s14], [sflag:$0x3], $0x200, $0x38;
	[tilespmem:$0x500] =	vst v63  }
.LBB2_5:
0x2a: {  	s15 =	sadd.s32 $0x1000, s11  }
0x2b: {  	p2 =	sgt.s32 s15, $0x493FF  }
0x2c: {  	s15 =	smov.u32 @p2 s3;
	p2 =	sne.s32 s12, s9  }
.Ltmp1:
0x2d: {  	p1 =	slt.u32 s12, $0x2;
	(pc) =	sbr.rel @!p2 .LBB2_6-.Ltmp1, $4  }
0x2e: {  	s14 =	simm.s32 @!p1 $0x3  }
0x2f: {  	s16 =	sadd.s32 $0x1, s12;
	_ =	swait.ge @!p1 [sflag:s14], $0x200  }
0x30: {  	s13 =	smov.u32 s11;
	p0 =	por !p0, !p0;
	[sflag:s14] =	ssyncset.done @!p1 $0x0  }
0x31: {  	s12 =	smov.u32 s16;
	s11 =	smov.u32 s15;
	[sflag:s14] =	ssyncadd.s32 @!p1 $0xFFFFFE00  }
.LBB2_1:
0x32: {  	p1 =	sge.u32 s12, s8  }
0x33: {  	s14 =	sxor.u32 @!p1 $0xFFFFFFFF, s12  }
0x34: {  	s31 =	sadd.s32 $0xFFFFFFFF, s12;
	s15 =	sshrl.u32 @!p1 s11, $0x3;
	s14 =	sshll.u32 @!p1 s14, $0x7  }
0x35: {  	s16 =	sand.u32 @!p1 $0x7, s11;
	s15 =	sadd.s32 @!p1 s2, s15;
	s14 =	sand.u32 @!p1 $0x80, s14  }
0x36: {  	[tilespmem:s14], [sflag:$0x2] =	stream.linear.gather @!p1 [hbm4b:s15+s16], $0x80, $0x38;
	[tilespmem:$0x500] =	vst v63  }
0x37: {  	p1 =	sge.u32 s31, s8  }
.Ltmp2:
0x38: {  	_ = 	snop;
	(pc) =	sbr.rel @p1 .LBB2_5-.Ltmp2, $1  }
0x39: {  	_ =	sdelay $0x3  }
0x3a: {  	s14 =	simm.s32 $0x1  }
0x3b: {  	_ =	swait.ge [sflag:s7], $0x80;
	s14 =	simm.s32 @!p0 $0x0  }
0x3c: {  	[sflag:s7] =	ssyncset.done $0x0;
	s15 =	sshll.u32 s14, $0x7  }
0x3d: {  	[sflag:s7] =	ssyncadd.s32 $0xFFFFFF80;
	s16 =	sadd.s32 $0x0, s15  }
0x3e: {  	v1 =	vld.msk [tilespmem:s16+$0x0 ss:$0x1], $0xffff;
	_ =	sdelay $0x3  }
0x3f: {  	s18 =	ssub.s32 $0x493E0, s13  }
0x40: {  	p1 =	slt.s32 s18, $0x80;
	v2 =	vshrl.u32 v1, $0x11  }
0x41: {  	s18 =	simm.s32 @!p1 $0x80;
	vm1 =	veq.s32 v1, $0x80000000;
	v1 =	vand.u32 $0x1FFFF, v1;
	v2 =	vand.u32 $0x3, v2  }
0x42: {  	p1 =	sgt.s32 s18, $0x0;
	s16 =	smov.u32 s18;
	v1 =	vsel vm1, $0xFFFFFFFF, v1;
	v2 =	vmul.u32 $0x61C00, v2  }
0x43: {  	s16 =	simm.s32 @!p1 $0x0;
	v3 =	vshll.u32 v1, $0x2  }
0x44: {  	s16 =	smin.u32 s16, $0x10;
	v3 =	vand.u32 $0xFFFFFE00, v3;
	v2 =	vsel vm1, $0xFFF9E400, v2  }
0x45: {  	v1 =	vand.u32 $0x7F, v1;
	v2 =	vadd.s32 v3, v2;
	v3 =	vmov s16  }
0x46: {  	v1 =	vor.u32 v1, v2;
	vm1 =	vgt.u32 v3, v0  }
0x47: {  	v2 =	vnsel vm1, $0x7FFFFFFF, v1;
	_ =	sdelay $0x1  }
0x48: {  	s14 =	sshll.u32 s14, $0x9;
	v3 =	vor.u32 $0x80, v1  }
0x49: {  	(ifvalue) =	ssetifvalue $0x7FFFFFFF;
	s16 =	sor.u32 $0x100, s14;
	v3 =	vnsel vm1, $0x7FFFFFFF, v3  }
0x4a: {  	(ifvalue) =	ssetifvalue $0x7FFFFFFF;
	s19 =	sadd.s32 $0x0, s16  }
0x4b: {  	v4 =	vor.u32 $0x100, v1;
	[tilespmem:s19], [sflag:$0x1] =	stream.indirect_vreg.gather [hbm4b:s4+s10], $0x1, v2, vm0, $0x4038;
	[tilespmem:$0x500] =	vst v63  }
0x4c: {  	(ifvalue) =	ssetifvalue $0x7FFFFFFF;
	v2 =	vnsel vm1, $0x7FFFFFFF, v4  }
0x4d: {  	s17 =	sadd.s32 $0x80, s19;
	(ifvalue) =	ssetifvalue $0x7FFFFFFF  }
0x4e: {  	v1 =	vor.u32 $0x180, v1;
	[tilespmem:s17], [sflag:$0x1] =	stream.indirect_vreg.gather [hbm4b:s4+s10], $0x1, v3, vm0, $0x4038;
	[tilespmem:$0x500] =	vst v63  }
0x4f: {  	s30 =	sshll.u32 s12, $0x9;
	s20 =	simm.s32 $0x80;
	v1 =	vnsel vm1, $0x7FFFFFFF, v1;
	(ifvalue) =	ssetifvalue $0x7FFFFFFF  }
0x50: {  	s14 =	sand.u32 $0x200, s30;
	s31 =	sadd.s32 $0x100, s19;
	(ifvalue) =	ssetifvalue $0x7FFFFFFF  }
0x51: {  	[tilespmem:s31], [sflag:$0x1] =	stream.indirect_vreg.gather [hbm4b:s4+s10], $0x1, v2, vm0, $0x4038;
	[tilespmem:$0x500] =	vst v63  }
0x52: {  	s18 =	sadd.s32 $0xFFFFFFF0, s18;
	s14 =	sor.u32 $0x100, s14;
	(ifvalue) =	ssetifvalue $0x7FFFFFFF  }
0x53: {  	s21 =	sadd.s32 $0x180, s19;
	s17 =	simm.s32 $0x10;
	(ifvalue) =	ssetifvalue $0x7FFFFFFF  }
.LBB2_3:
0x54: {  	[tilespmem:s21], [sflag:$0x1] =	stream.indirect_vreg.gather [hbm4b:s4+s10], $0x1, v1, vm0, $0x4038;
	[tilespmem:$0x500] =	vst v63  }
0x55: {  	s19 =	smov.u32 s20  }
0x56: {  	s22 =	sadd.s32 s17, s15;
	s21 =	sshra.s32 s19, $0x2;
	s19 =	sadd.s32 $0x40, s20  }
0x57: {  	p1 =	sne.s32 s20, $0x1C0;
	v1 =	vld.msk [tilespmem:s22+$0x0 ss:$0x1], $0xffff  }
0x58: {  	(ifvalue) =	ssetifvalue $0x7FFFFFFF;
	_ =	sdelay $0x4  }
0x59: {  	v2 =	vshrl.u32 v1, $0x11  }
0x5a: {  	vm1 =	veq.s32 v1, $0x80000000;
	v1 =	vand.u32 $0x1FFFF, v1;
	v2 =	vand.u32 $0x3, v2  }
0x5b: {  	p2 =	sgt.s32 s18, $0x0;
	s20 =	smov.u32 s18;
	v1 =	vsel vm1, $0xFFFFFFFF, v1;
	v2 =	vmul.u32 $0x61C00, v2  }
0x5c: {  	s20 =	simm.s32 @!p2 $0x0;
	v3 =	vshll.u32 v1, $0x2  }
0x5d: {  	s20 =	smin.u32 s20, $0x10;
	v3 =	vand.u32 $0xFFFFFE00, v3;
	v2 =	vsel vm1, $0xFFF9E400, v2  }
0x5e: {  	v1 =	vand.u32 $0x7F, v1;
	v2 =	vadd.s32 v3, v2;
	v3 =	vmov s20  }
0x5f: {  	v1 =	vor.u32 v1, v2;
	vm1 =	vgt.u32 v3, v0  }
0x60: {  	v2 =	vnsel vm1, $0x7FFFFFFF, v1;
	v3 =	vor.u32 $0x80, v1;
	v4 =	vor.u32 $0x100, v1  }
0x61: {  	v1 =	vor.u32 $0x180, v1;
	_ =	sdelay $0x1  }
0x62: {  	v3 =	vnsel vm1, $0x7FFFFFFF, v3  }
0x63: {  	s20 =	sadd.s32 s17, s16;
	s17 =	smov.u32 s21;
	(ifvalue) =	ssetifvalue $0x7FFFFFFF  }
0x64: {  	[tilespmem:s20], [sflag:$0x1] =	stream.indirect_vreg.gather [hbm4b:s4+s10], $0x1, v2, vm0, $0x4038;
	[tilespmem:$0x500] =	vst v63  }
0x65: {  	v2 =	vnsel vm1, $0x7FFFFFFF, v4;
	(ifvalue) =	ssetifvalue $0x7FFFFFFF  }
0x66: {  	s21 =	sadd.s32 $0x80, s20;
	(ifvalue) =	ssetifvalue $0x7FFFFFFF  }
0x67: {  	[tilespmem:s21], [sflag:$0x1] =	stream.indirect_vreg.gather [hbm4b:s4+s10], $0x1, v3, vm0, $0x4038;
	[tilespmem:$0x500] =	vst v63  }
.Ltmp3:
0x68: {  	v1 =	vnsel vm1, $0x7FFFFFFF, v1;
	(ifvalue) =	ssetifvalue $0x7FFFFFFF;
	(pc) =	sbr.rel @p1 .LBB2_3-.Ltmp3, $4  }
0x69: {  	s21 =	sadd.s32 $0x100, s20;
	(ifvalue) =	ssetifvalue $0x7FFFFFFF  }
0x6a: {  	[tilespmem:s21], [sflag:$0x1] =	stream.indirect_vreg.gather [hbm4b:s4+s10], $0x1, v2, vm0, $0x4038;
	[tilespmem:$0x500] =	vst v63  }
0x6b: {  	s18 =	sadd.s32 $0xFFFFFFF0, s18;
	(ifvalue) =	ssetifvalue $0x7FFFFFFF  }
0x6c: {  	s21 =	sadd.s32 $0x180, s20;
	s20 =	smov.u32 s19;
	(ifvalue) =	ssetifvalue $0x7FFFFFFF  }
.Ltmp4:
0x6d: {  	_ = 	snop;
	(pc) =	sbr.rel .LBB2_4-.Ltmp4, $1  }
0x6e: {  	_ =	sdelay $0x3  }
.LBB2_6:
0x6f: {  	_ =	sfence.sel $0x180000  }
0x70: {  	s2 =	simm.s32 $0x2;
	[bflag:$0x0] =	sbarrier.arrive $0xFFFF  }
0x71: {  	s30 =	simm.s32 $0x3;
	[sflag:s2] =	ssyncpa.u1 $0x1  }
0x72: {  	s31 =	simm.s32 $0x1;
	[sflag:s30] =	ssyncpa.u1 $0x1  }
0x73: {  	[sflag:s31] =	ssyncpa.u1 $0x1  }
0x74: {  	p0 =	sne.s32 s0, $0x0;
	_ =	strace $0x9000004A  }
0x75: {  	s0 =	sadd.s32 @!p0 $0x100000, s1;
	[bflag:$0x2] =	sbarrier.arrive $0xFFFF  }
0x76: {  	[sflag:s0] =	ssyncadd.tile.s32 @!p0 $0x1;
	_ =	shalt  }
.Lfunc_end2:
_tile_overlayer_lowered:
.L_overlay_start_2:
0x77: {  	(tag) =	ssettag $0x2  }
0x78: {  	s0 =	rddreg [dreg:$0x0];
	s2 =	stileid.u32  }
0x79: {  	s1 =	rddreg [dreg:$0x1];
	p0 =	sne.s32 s2, $0x0  }
0x7a: {  	s3 =	rddreg [dreg:$0x2];
	[bflag:$0x3] =	sbarrier.arrive $0xFFFF;
	s2 =	simm.s32 @!p0 $0x1C01  }
0x7b: {  	[timem:s3], [sflag:s2] =	dma.local @!p0 [hbm:s0], s1  }
0x7c: {  	s0 =	simm.s32 @!p0 $0x1  }
0x7d: {  	_ =	swait.ge @!p0 [sflag:s0], s1  }
0x7e: {  	s1 =	ssub.s32 @!p0 $0x0, s1;
	[sflag:s0] =	ssyncset.done @!p0 $0x0  }
0x7f: {  	[sflag:s0] =	ssyncadd.s32 @!p0 s1  }
0x80: {  	[bflag:$0x3] =	sbarrier.arrive $0xFFFF  }
0x81: {  	_ =	shalt  }

// kernel: kernel.4.cloned.1.call-start
scs
__scs_entry_jumppad:
0x0: {  	(pc) =	sbr.rel $0x88, $3  }
0x1: {  	(tag) =	ssettag $0x0;
	lr =	simm.s32 $0x1  }
0x2: {  	[smem:$0x3F96] =	sst lr;
	_ =	strace $0xD0000000  }
0x3: {  	_ = 	snop  }
0x4: {  	_ = 	snop  }
0x5: {  	_ = 	snop  }
0x6: {  	_ = 	snop  }
0x7: {  	_ = 	snop  }
__scs_overlays_trampoline_lowered:
0x8: {  	[smem:$0x3FA5] =	sst s0  }
0x9: {  	[smem:$0x3FA6] =	sst s1  }
0xa: {  	[smem:$0x3FA7] =	sst s2  }
0xb: {  	[smem:$0x3FA8] =	sst s3  }
0xc: {  	[smem:$0x3FA9] =	sst s4  }
0xd: {  	[smem:$0x3FAA] =	sst s5  }
0xe: {  	[smem:$0x3FAB] =	sst s6  }
0xf: {  	[smem:$0x3FAC] =	sst s7  }
0x10: {  	[smem:$0x3FAD] =	sst s8  }
0x11: {  	[smem:$0x3FAE] =	sst s9;
	s0 =	simm.s32 @!p0 $0x0  }
0x12: {  	s1 =	sld [smem:$0x3F94];
	s0 =	simm.s32 @p0 $0x1  }
0x13: {  	[smem:$0x3FAF] =	sst s0;
	s0 =	simm.s32 @!p1 $0x0  }
0x14: {  	s2 =	sld [smem:$0x3F93];
	s0 =	simm.s32 @p1 $0x1  }
0x15: {  	[smem:$0x3FB0] =	sst s0;
	s0 =	simm.s32 @!p2 $0x0  }
0x16: {  	s3 =	sld [smem:$0x3FDB];
	s0 =	simm.s32 @p2 $0x1  }
0x17: {  	s4 =	simm.s32 $0x1BF5;
	[smem:$0x3FB2] =	sst s0  }
0x18: {  	s0 =	sld [smem:$0x3F95];
	_ =	swait.ge [sflag:s4], $0x0  }
0x19: {  	s7 =	sld [smem:$0x3F96]  }
0x1a: {  	s8 =	sadd.s32 $0xFFFFE003, lr  }
0x1b: {  	s9 =	sadd.s32 $0xFFFFFEF7, lr;
	s5 =	simm.s32 $0xFFFFFFFF;
	p2 =	slt.u32 s8, $0xFFFFF086  }
0x1c: {  	p1 =	slt.u32 s9, $0xF7A;
	s5 =	simm.s32 @!p2 $0x0  }
0x1d: {  	s5 =	simm.s32 @p1 $0x1;
	p0 =	seq.s32 s7, s2  }
0x1e: {  	s7 =	smul.u32 @!p0 $0xF7A, s2;
	p2 =	seq.s32 @!p0 s5, $0x0  }
0x1f: {  	s9 =	smul.u32 $0xF7A, s1;
	s8 =	simm.s32 @!p0 $0x1BF5;
	p2 =	por !p2, p0  }
0x20: {  	[sflag:s8] =	ssyncset.s32 @!p0 $0xFFFFF086;
	s6 =	sadd.s32 @!p0 s3, s7;
	s7 =	simm.s32 @!p0 $0x108  }
0x21: {  	s3 =	sadd.s32 s3, s9;
	s6 =	sadd.s32 @!p0 $0x88, s6;
	s7 =	simm.s32 @p2 $0x1082  }
0x22: {  	[simem:s7], [sflag:s8] =	dma.local @!p0 [hbm:s6], $0xF7A  }
0x23: {  	s9 =	sor.u32 $0xD0000000, s2;
	s6 =	simm.s32 $0x108;
	_ =	swait.ge @!p0 [sflag:s8], $0x0  }
0x24: {  	s3 =	sadd.s32 $0x88, s3;
	s6 =	simm.s32 @!p1 $0x1082;
	[sflag:s4] =	ssyncset.s32 $0xFFFFF086  }
0x25: {  	[simem:s6], [sflag:s4] =	dma.local [hbm:s3], $0xF7A  }
0x26: {  	[smem:$0x3F96] =	sst s1;
	(tag) =	ssettag s2;
	_ =	strace s9  }
0x27: {  	s1 =	sld [smem:$0x3FA6]  }
0x28: {  	s2 =	sld [smem:$0x3FA7]  }
0x29: {  	s4 =	sld [smem:$0x3FA9]  }
0x2a: {  	p0 =	seq.s32 s5, $0x0;
	s5 =	sld [smem:$0x3FAA]  }
0x2b: {  	s6 =	sld [smem:$0x3FAB]  }
0x2c: {  	s7 =	sld [smem:$0x3FAC]  }
0x2d: {  	s3 =	simm.s32 $0x108;
	s8 =	sld [smem:$0x3FAD]  }
0x2e: {  	s3 =	simm.s32 @!p0 $0x1082;
	s9 =	sld [smem:$0x3FAE]  }
0x2f: {  	lr =	sadd.s32 s0, s3;
	s0 =	sld [smem:$0x3FA5]  }
0x30: {  	s3 =	sld [smem:$0x3FA8]  }
0x31: {  	[smem:$0x3FB1] =	sst s10  }
0x32: {  	s10 =	sld [smem:$0x3FAF];
	_ =	sdelay $0x3  }
0x33: {  	p0 =	seq.s32 s10, $0x1;
	s10 =	sld [smem:$0x3FB1];
	_ =	sdelay $0x3  }
0x34: {  	[smem:$0x3FB1] =	sst s10  }
0x35: {  	s10 =	sld [smem:$0x3FB0];
	_ =	sdelay $0x3  }
0x36: {  	p1 =	seq.s32 s10, $0x1;
	s10 =	sld [smem:$0x3FB1];
	_ =	sdelay $0x3  }
0x37: {  	[smem:$0x3FB1] =	sst s10  }
0x38: {  	s10 =	sld [smem:$0x3FB2]  }
0x39: {  	_ = 	snop;
	(pc) =	sbr.ind lr, $3  }
0x3a: {  	_ = 	snop  }
0x3b: {  	_ = 	snop  }
0x3c: {  	p2 =	seq.s32 s10, $0x1;
	s10 =	sld [smem:$0x3FB1]  }
0x3d: {  	_ =	shalt  }
0x3e: {  	_ =	shalt  }
0x3f: {  	_ =	shalt  }
0x40: {  	_ =	shalt  }
0x41: {  	_ =	shalt  }
0x42: {  	_ =	shalt  }
0x43: {  	_ =	shalt  }
0x44: {  	_ =	shalt  }
0x45: {  	_ =	shalt  }
0x46: {  	_ =	shalt  }
0x47: {  	_ =	shalt  }
0x48: {  	_ =	shalt  }
0x49: {  	_ =	shalt  }
0x4a: {  	_ =	shalt  }
0x4b: {  	_ =	shalt  }
0x4c: {  	_ =	shalt  }
0x4d: {  	_ =	shalt  }
0x4e: {  	_ =	shalt  }
0x4f: {  	_ =	shalt  }
0x50: {  	_ =	shalt  }
0x51: {  	_ =	shalt  }
0x52: {  	_ =	shalt  }
0x53: {  	_ =	shalt  }
0x54: {  	_ =	shalt  }
0x55: {  	_ =	shalt  }
0x56: {  	_ =	shalt  }
0x57: {  	_ =	shalt  }
0x58: {  	_ =	shalt  }
0x59: {  	_ =	shalt  }
0x5a: {  	_ =	shalt  }
0x5b: {  	_ =	shalt  }
0x5c: {  	_ =	shalt  }
0x5d: {  	_ =	shalt  }
0x5e: {  	_ =	shalt  }
0x5f: {  	_ =	shalt  }
0x60: {  	_ =	shalt  }
0x61: {  	_ =	shalt  }
0x62: {  	_ =	shalt  }
0x63: {  	_ =	shalt  }
0x64: {  	_ =	shalt  }
0x65: {  	_ =	shalt  }
0x66: {  	_ =	shalt  }
0x67: {  	_ =	shalt  }
0x68: {  	_ =	shalt  }
0x69: {  	_ =	shalt  }
0x6a: {  	_ =	shalt  }
0x6b: {  	_ =	shalt  }
0x6c: {  	_ =	shalt  }
0x6d: {  	_ =	shalt  }
0x6e: {  	_ =	shalt  }
0x6f: {  	_ =	shalt  }
0x70: {  	_ =	shalt  }
0x71: {  	_ =	shalt  }
0x72: {  	_ =	shalt  }
0x73: {  	_ =	shalt  }
0x74: {  	_ =	shalt  }
0x75: {  	_ =	shalt  }
0x76: {  	_ =	shalt  }
0x77: {  	_ =	shalt  }
0x78: {  	_ =	shalt  }
0x79: {  	_ =	shalt  }
0x7a: {  	_ =	shalt  }
0x7b: {  	_ =	shalt  }
0x7c: {  	_ =	shalt  }
0x7d: {  	_ =	shalt  }
0x7e: {  	_ =	shalt  }
0x7f: {  	_ =	shalt  }
0x80: {  	_ =	shalt  }
0x81: {  	_ =	shalt  }
0x82: {  	_ =	shalt  }
0x83: {  	_ =	shalt  }
0x84: {  	_ =	shalt  }
0x85: {  	_ =	shalt  }
0x86: {  	_ =	shalt  }
0x87: {  	_ =	shalt  }
.Lfunc_end0:
.L_simem_size_0:
called_computation.1_lowered:
.L_overlay_start_0:
0x88: {  	s2 =	sld [smem:$0x3FD9]  }
0x89: {  	s3 =	sld [smem:$0x3FFE];
	_ =	sdelay $0x1  }
0x8a: {  	s1 =	srdreg.scid  }
0x8b: {  	s0 =	sand.u32 $0x1, s1  }
0x8c: {  	s14 =	sshll.u32 s0, $0xA;
	s2 =	sadd.s32 s3, s2  }
0x8d: {  	s2 =	sadd.s32 s2, s14  }
0x8e: {  	[smem:$0x3FBD] =	sst s2  }
0x8f: {  	_ = 	snop  }
0x90: {  	s2 =	sld [smem:$0x3FD0];
	_ =	sdelay $0x2  }
0x91: {  	s15 =	simm.s32 $0xA;
	s4 =	simm.s32 $0x10  }
0x92: {  	[smem:s4], [sflag:s15] =	dma.local [hbm:s2], $0x1  }
0x93: {  	_ =	swait.eq [sflag:s15], $0x1  }
0x94: {  	[sflag:s15] =	ssyncset.done $0x0  }
0x95: {  	[sflag:s15] =	ssyncadd.s32 $0xFFFFFFFF  }
0x96: {  	s16 =	sld [smem:$0x11];
	(tm) =	ssettm $0x1  }
0x97: {  	s17 =	sld [smem:$0x3FFB];
	_ =	sdelay $0x3  }
0x98: {  	_ =	strace s17  }
0x99: {  	s3 =	sld [smem:$0x3FFC];
	_ =	sdelay $0x3  }
0x9a: {  	_ =	strace s3  }
0x9b: {  	s3 =	sld [smem:$0x3FFD];
	_ =	sdelay $0x3  }
0x9c: {  	_ =	strace s3  }
0x9d: {  	_ =	strace $0x8FFFFFFF  }
0x9e: {  	s18 =	sld [smem:$0x3FDB];
	_ =	sdelay $0x1  }
0x9f: {  	s19 =	simm.s32 $_scs_section_size  }
0xa0: {  	s5 =	simm.s32 $_size__tile_overlayer_lowered;
	s6 =	simm.s32 $_tile_overlayer_lowered  }
0xa1: {  	s22 =	simm.s32 $0x1BFF;
	s21 =	sshll.u32 s6, $0x1;
	s3 =	sadd.s32 s19, s18  }
0xa2: {  	s7 =	simm.s32 $0x0;
	s20 =	sshll.u32 s5, $0x1;
	s5 =	sadd.s32 s21, s3  }
0xa3: {  	[timem:s7], [sflag:s22] =	dma.local [hbm:s5], s20  }
0xa4: {  	_ =	swait.ge [sflag:s22], s20  }
0xa5: {  	s4 =	ssub.s32 $0x0, s20;
	[sflag:s22] =	ssyncset.done $0x0  }
0xa6: {  	[sflag:s22] =	ssyncadd.s32 s4;
	_ =	sdelay $0x1  }
0xa7: {  	s23 =	simm.s32 $0x1B8B  }
0xa8: {  	_ =	swait.ge [sflag:s23], $0x1  }
0xa9: {  	[sflag:s23] =	ssyncset.done $0x0  }
0xaa: {  	s25 =	simm.s32 $0x1B8E;
	s24 =	sld [smem:$0x3FFE];
	[sflag:s23] =	ssyncadd.s32 $0xFFFFFFFF  }
0xab: {  	s26 =	simm.s32 $execute0_lowered;
	[smem:$0x3FD2] =	sst s25  }
0xac: {  	s5 =	sshll.u32 s26, $0x1;
	_ =	strace $0x80000046;
	[dreg:$0x1] =	wrdreg $0xFFFFFFFF  }
0xad: {  	s28 =	simm.s32 $_size_execute0_lowered;
	s3 =	sadd.s32 s3, s5;
	[dreg:$0x0] =	wrdreg $0x0  }
0xae: {  	s5 =	sshll.u32 s28, $0x1;
	[dreg:$0x2] =	wrdreg s3  }
0xaf: {  	[dreg:$0x3] =	wrdreg s5  }
0xb0: {  	[dreg:$0x4] =	wrdreg $0xC0  }
0xb1: {  	_ =	task [dreg:s7], $0x5FFFF  }
0xb2: {  	[dreg:$0x1] =	wrdreg $0xFFFFFFFF  }
0xb3: {  	[dreg:$0x0] =	wrdreg $0x60  }
0xb4: {  	[dreg:$0x2] =	wrdreg s16  }
0xb5: {  	[dreg:$0x3] =	wrdreg s24  }
0xb6: {  	[dreg:$0x4] =	wrdreg $0x9  }
0xb7: {  	_ =	task.clear_ibuf [dreg:s7], $0x5FFFF;
	_ =	strace $0x90000046  }
0xb8: {  	s29 =	simm.s32 $0x9;
	_ =	strace $0x80000048  }
0xb9: {  	_ =	swait.ge [sflag:s29], $0x1  }
0xba: {  	[sflag:s29] =	ssyncadd.s32 $0xFFFFFFFF  }
0xbb: {  	_ =	strace $0x90000048  }
0xbc: {  	_ =	sfence  }
0xbd: {  	s30 =	sld [smem:$0x0];
	_ =	sdelay $0x2  }
0xbe: {  	s31 =	sshll.u32 s1, $0xD;
	s1 =	sshrl.u32 s1, $0x2  }
0xbf: {  	s3 =	sand.u32 $0x4000, s31;
	s1 =	sadd.s32 s1, s30  }
0xc0: {  	s0 =	sor.u32 s3, s0;
	s1 =	sshll.u32 s1, $0x11  }
0xc1: {  	s0 =	sor.u32 s1, s0  }
0xc2: {  	s0 =	sadd.s32 $0x8F2B, s0  }
0xc3: {  	[sflag:s0] =	ssyncadd.remote.s32 $0x1  }
0xc4: {  	_ =	sfence.sel $0xFFFF  }
0xc5: {  	[dreg:$0x0] =	wrdreg $0xFFFFFFFF;
	(pc) =	sbr.abs _section_cstart, $3  }
0xc6: {  	[dreg:$0x1] =	wrdreg $0xFFFFFFFF  }
0xc7: {  	_ =	task.clear_ibuf [dreg:s7], $0x2FFFF;
	_ =	strace $0x9FFFFFFF  }
0xc8: {  	(tm) =	ssettm $0x7FFFFFFF  }
0xc9: {  	_ =	shalt  }
tec
execute0_lowered:
.L_overlay_start_1:
0x0: {  	(tag) =	ssettag $0x1  }
0x1: {  	s1 =	srdreg.scid;
	s0 =	stileid.u32  }
0x2: {  	s16 =	sand.u32 $0x1, s1;
	s29 =	sshll.u32 s0, $0x1  }
0x3: {  	s2 =	rddreg [dreg:$0x0];
	s1 =	sor.u32 s16, s29  }
0x4: {  	s15 =	rddreg [dreg:$0x1];
	s3 =	simm.s32 $0x0;
	s18 =	smul.u32 $0xC800, s1  }
0x5: {  	[smem:$0x7FF] =	sst s3  }
0x6: {  	s1 =	rddreg [dreg:$0x2];
	s4 =	sshrl.u32 s18, $0x3  }
0x7: {  	_ =	strace $0x80000047;
	s5 =	sadd.s32 s15, s4;
	s4 =	simm.s32 $0x2  }
0x8: {  	[tilespmem:s3], [sflag:$0x2] =	stream.linear.gather [hbm4b:s5+s3], $0x2800, $0x38;
	[tilespmem:$0x16800] =	vst v63  }
0x9: {  	_ =	swait.ge [sflag:s4], $0x2800  }
0xa: {  	[sflag:s4] =	ssyncset.done $0x0  }
0xb: {  	s6 =	simm.s32 $0x2800;
	s7 =	simm.s32 $0x1;
	[sflag:s4] =	ssyncadd.s32 $0xFFFFD800  }
0xc: {  	[tilespmem:s6], [sflag:$0x1] =	stream.indirect.gather [hbm4b:s2+s6], $0x8, s3, s6, $0xb8;
	[tilespmem:$0x16800] =	vst v63  }
0xd: {  	_ =	swait.ge [sflag:s7], $0x14000  }
0xe: {  	s17 =	sadd.s32 $0x316A00, s15;
	[sflag:s7] =	ssyncset.done $0x0  }
0xf: {  	s8 =	sadd.s32 s17, s18;
	[sflag:s7] =	ssyncadd.s32 $0xFFFEC000  }
0x10: {  	[hbm4b:s8+s3] =	stream.linear.scatter [tilespmem:s6], [sflag:$0x2], $0x14000, $0x38;
	[tilespmem:$0x16800] =	vst v63  }
0x11: {  	s10 =	sadd.s32 $0x2800, s18;
	_ =	swait.ge [sflag:s4], $0x14000  }
0x12: {  	s9 =	sshrl.u32 s10, $0x3;
	[sflag:s4] =	ssyncset.done $0x0  }
0x13: {  	s9 =	sadd.s32 s15, s9;
	[sflag:s4] =	ssyncadd.s32 $0xFFFEC000  }
0x14: {  	[tilespmem:s3], [sflag:$0x2] =	stream.linear.gather [hbm4b:s9+s3], $0x2800, $0x38;
	[tilespmem:$0x16800] =	vst v63  }
0x15: {  	_ =	swait.ge [sflag:s4], $0x2800  }
0x16: {  	[sflag:s4] =	ssyncset.done $0x0  }
0x17: {  	[sflag:s4] =	ssyncadd.s32 $0xFFFFD800  }
0x18: {  	[tilespmem:s6], [sflag:$0x1] =	stream.indirect.gather [hbm4b:s2+s6], $0x8, s3, s6, $0xb8;
	[tilespmem:$0x16800] =	vst v63  }
0x19: {  	_ =	swait.ge [sflag:s7], $0x14000  }
0x1a: {  	[sflag:s7] =	ssyncset.done $0x0  }
0x1b: {  	s10 =	sadd.s32 s17, s10;
	[sflag:s7] =	ssyncadd.s32 $0xFFFEC000  }
0x1c: {  	[hbm4b:s10+s3] =	stream.linear.scatter [tilespmem:s6], [sflag:$0x2], $0x14000, $0x38;
	[tilespmem:$0x16800] =	vst v63  }
0x1d: {  	s12 =	sadd.s32 $0x5000, s18;
	_ =	swait.ge [sflag:s4], $0x14000  }
0x1e: {  	s11 =	sshrl.u32 s12, $0x3;
	[sflag:s4] =	ssyncset.done $0x0  }
0x1f: {  	s11 =	sadd.s32 s15, s11;
	[sflag:s4] =	ssyncadd.s32 $0xFFFEC000  }
0x20: {  	[tilespmem:s3], [sflag:$0x2] =	stream.linear.gather [hbm4b:s11+s3], $0x2800, $0x38;
	[tilespmem:$0x16800] =	vst v63  }
0x21: {  	_ =	swait.ge [sflag:s4], $0x2800  }
0x22: {  	[sflag:s4] =	ssyncset.done $0x0  }
0x23: {  	[sflag:s4] =	ssyncadd.s32 $0xFFFFD800  }
0x24: {  	[tilespmem:s6], [sflag:$0x1] =	stream.indirect.gather [hbm4b:s2+s6], $0x8, s3, s6, $0xb8;
	[tilespmem:$0x16800] =	vst v63  }
0x25: {  	_ =	swait.ge [sflag:s7], $0x14000  }
0x26: {  	[sflag:s7] =	ssyncset.done $0x0  }
0x27: {  	s12 =	sadd.s32 s17, s12;
	[sflag:s7] =	ssyncadd.s32 $0xFFFEC000  }
0x28: {  	[hbm4b:s12+s3] =	stream.linear.scatter [tilespmem:s6], [sflag:$0x2], $0x14000, $0x38;
	[tilespmem:$0x16800] =	vst v63  }
0x29: {  	s14 =	sadd.s32 $0x7800, s18;
	_ =	swait.ge [sflag:s4], $0x14000  }
0x2a: {  	s13 =	sshrl.u32 s14, $0x3;
	[sflag:s4] =	ssyncset.done $0x0  }
0x2b: {  	s13 =	sadd.s32 s15, s13;
	[sflag:s4] =	ssyncadd.s32 $0xFFFEC000  }
0x2c: {  	[tilespmem:s3], [sflag:$0x2] =	stream.linear.gather [hbm4b:s13+s3], $0x2800, $0x38;
	[tilespmem:$0x16800] =	vst v63  }
0x2d: {  	_ =	swait.ge [sflag:s4], $0x2800  }
0x2e: {  	[sflag:s4] =	ssyncset.done $0x0  }
0x2f: {  	[sflag:s4] =	ssyncadd.s32 $0xFFFFD800  }
0x30: {  	[tilespmem:s6], [sflag:$0x1] =	stream.indirect.gather [hbm4b:s2+s6], $0x8, s3, s6, $0xb8;
	[tilespmem:$0x16800] =	vst v63  }
0x31: {  	_ =	swait.ge [sflag:s7], $0x14000  }
0x32: {  	[sflag:s7] =	ssyncset.done $0x0  }
0x33: {  	s14 =	sadd.s32 s17, s14;
	[sflag:s7] =	ssyncadd.s32 $0xFFFEC000  }
0x34: {  	[hbm4b:s14+s3] =	stream.linear.scatter [tilespmem:s6], [sflag:$0x2], $0x14000, $0x38;
	[tilespmem:$0x16800] =	vst v63  }
0x35: {  	s18 =	sadd.s32 $0xA000, s18;
	_ =	swait.ge [sflag:s4], $0x14000  }
0x36: {  	s19 =	sshrl.u32 s18, $0x3;
	[sflag:s4] =	ssyncset.done $0x0  }
0x37: {  	s16 =	ssub.s32 $0x2, s16;
	s15 =	sadd.s32 s15, s19;
	[sflag:s4] =	ssyncadd.s32 $0xFFFEC000  }
0x38: {  	[tilespmem:s3], [sflag:$0x2] =	stream.linear.gather [hbm4b:s15+s3], $0x2800, $0x38;
	[tilespmem:$0x16800] =	vst v63  }
0x39: {  	s30 =	sshrl.u32 s16, $0x1;
	_ =	swait.ge [sflag:s4], $0x2800  }
0x3a: {  	s19 =	ssub.s32 s16, s30;
	[sflag:s4] =	ssyncset.done $0x0  }
0x3b: {  	s31 =	smax.u32 s19, $0x1;
	[sflag:s4] =	ssyncadd.s32 $0xFFFFD800  }
0x3c: {  	[tilespmem:s6], [sflag:$0x1] =	stream.indirect.gather [hbm4b:s2+s6], $0x8, s3, s6, $0xb8;
	[tilespmem:$0x16800] =	vst v63  }
0x3d: {  	p0 =	sne.s32 s31, $0x1;
	_ =	swait.ge [sflag:s7], $0x14000  }
.Ltmp0:
0x3e: {  	[sflag:s7] =	ssyncset.done $0x0;
	(pc) =	sbr.rel @!p0 .LBB2_2-.Ltmp0, $4  }
0x3f: {  	s16 =	sadd.s32 s17, s18;
	[sflag:s7] =	ssyncadd.s32 $0xFFFEC000  }
0x40: {  	[hbm4b:s16+s3] =	stream.linear.scatter [tilespmem:s6], [sflag:$0x2], $0x14000, $0x38;
	[tilespmem:$0x16800] =	vst v63  }
0x41: {  	_ =	swait.ge [sflag:s4], $0x14000  }
0x42: {  	s17 =	sadd.s32 $0xFFFFFFFF, s31;
	[sflag:s4] =	ssyncset.done $0x0  }
.LBB2_1:
0x43: {  	p0 =	sne.s32 s17, $0x1;
	s17 =	sadd.s32 $0xFFFFFFFF, s17;
	[sflag:s4] =	ssyncadd.s32 $0xFFFEC000  }
0x44: {  	[tilespmem:s3], [sflag:$0x2] =	stream.linear.gather [hbm4b:s5+s3], $0x2800, $0x38;
	[tilespmem:$0x16800] =	vst v63  }
0x45: {  	_ =	swait.ge [sflag:s4], $0x2800  }
0x46: {  	[sflag:s4] =	ssyncset.done $0x0  }
0x47: {  	[sflag:s4] =	ssyncadd.s32 $0xFFFFD800  }
0x48: {  	[tilespmem:s6], [sflag:$0x1] =	stream.indirect.gather [hbm4b:s2+s6], $0x8, s3, s6, $0xb8;
	[tilespmem:$0x16800] =	vst v63  }
0x49: {  	_ =	swait.ge [sflag:s7], $0x14000  }
0x4a: {  	[sflag:s7] =	ssyncset.done $0x0  }
0x4b: {  	[sflag:s7] =	ssyncadd.s32 $0xFFFEC000  }
0x4c: {  	[hbm4b:s8+s3] =	stream.linear.scatter [tilespmem:s6], [sflag:$0x2], $0x14000, $0x38;
	[tilespmem:$0x16800] =	vst v63  }
0x4d: {  	_ =	swait.ge [sflag:s4], $0x14000  }
0x4e: {  	[sflag:s4] =	ssyncset.done $0x0  }
0x4f: {  	[sflag:s4] =	ssyncadd.s32 $0xFFFEC000  }
0x50: {  	[tilespmem:s3], [sflag:$0x2] =	stream.linear.gather [hbm4b:s9+s3], $0x2800, $0x38;
	[tilespmem:$0x16800] =	vst v63  }
0x51: {  	_ =	swait.ge [sflag:s4], $0x2800  }
0x52: {  	[sflag:s4] =	ssyncset.done $0x0  }
0x53: {  	[sflag:s4] =	ssyncadd.s32 $0xFFFFD800  }
0x54: {  	[tilespmem:s6], [sflag:$0x1] =	stream.indirect.gather [hbm4b:s2+s6], $0x8, s3, s6, $0xb8;
	[tilespmem:$0x16800] =	vst v63  }
0x55: {  	_ =	swait.ge [sflag:s7], $0x14000  }
0x56: {  	[sflag:s7] =	ssyncset.done $0x0  }
0x57: {  	[sflag:s7] =	ssyncadd.s32 $0xFFFEC000  }
0x58: {  	[hbm4b:s10+s3] =	stream.linear.scatter [tilespmem:s6], [sflag:$0x2], $0x14000, $0x38;
	[tilespmem:$0x16800] =	vst v63  }
0x59: {  	_ =	swait.ge [sflag:s4], $0x14000  }
0x5a: {  	[sflag:s4] =	ssyncset.done $0x0  }
0x5b: {  	[sflag:s4] =	ssyncadd.s32 $0xFFFEC000  }
0x5c: {  	[tilespmem:s3], [sflag:$0x2] =	stream.linear.gather [hbm4b:s11+s3], $0x2800, $0x38;
	[tilespmem:$0x16800] =	vst v63  }
0x5d: {  	_ =	swait.ge [sflag:s4], $0x2800  }
0x5e: {  	[sflag:s4] =	ssyncset.done $0x0  }
0x5f: {  	[sflag:s4] =	ssyncadd.s32 $0xFFFFD800  }
0x60: {  	[tilespmem:s6], [sflag:$0x1] =	stream.indirect.gather [hbm4b:s2+s6], $0x8, s3, s6, $0xb8;
	[tilespmem:$0x16800] =	vst v63  }
0x61: {  	_ =	swait.ge [sflag:s7], $0x14000  }
0x62: {  	[sflag:s7] =	ssyncset.done $0x0  }
0x63: {  	[sflag:s7] =	ssyncadd.s32 $0xFFFEC000  }
0x64: {  	[hbm4b:s12+s3] =	stream.linear.scatter [tilespmem:s6], [sflag:$0x2], $0x14000, $0x38;
	[tilespmem:$0x16800] =	vst v63  }
0x65: {  	_ =	swait.ge [sflag:s4], $0x14000  }
0x66: {  	[sflag:s4] =	ssyncset.done $0x0  }
0x67: {  	[sflag:s4] =	ssyncadd.s32 $0xFFFEC000  }
0x68: {  	[tilespmem:s3], [sflag:$0x2] =	stream.linear.gather [hbm4b:s13+s3], $0x2800, $0x38;
	[tilespmem:$0x16800] =	vst v63  }
0x69: {  	_ =	swait.ge [sflag:s4], $0x2800  }
0x6a: {  	[sflag:s4] =	ssyncset.done $0x0  }
0x6b: {  	[sflag:s4] =	ssyncadd.s32 $0xFFFFD800  }
0x6c: {  	[tilespmem:s6], [sflag:$0x1] =	stream.indirect.gather [hbm4b:s2+s6], $0x8, s3, s6, $0xb8;
	[tilespmem:$0x16800] =	vst v63  }
0x6d: {  	_ =	swait.ge [sflag:s7], $0x14000  }
0x6e: {  	[sflag:s7] =	ssyncset.done $0x0  }
0x6f: {  	[sflag:s7] =	ssyncadd.s32 $0xFFFEC000  }
0x70: {  	[hbm4b:s14+s3] =	stream.linear.scatter [tilespmem:s6], [sflag:$0x2], $0x14000, $0x38;
	[tilespmem:$0x16800] =	vst v63  }
0x71: {  	_ =	swait.ge [sflag:s4], $0x14000  }
0x72: {  	[sflag:s4] =	ssyncset.done $0x0  }
0x73: {  	[sflag:s4] =	ssyncadd.s32 $0xFFFEC000  }
0x74: {  	[tilespmem:s3], [sflag:$0x2] =	stream.linear.gather [hbm4b:s15+s3], $0x2800, $0x38;
	[tilespmem:$0x16800] =	vst v63  }
0x75: {  	_ =	swait.ge [sflag:s4], $0x2800  }
0x76: {  	[sflag:s4] =	ssyncset.done $0x0  }
0x77: {  	[sflag:s4] =	ssyncadd.s32 $0xFFFFD800  }
0x78: {  	[tilespmem:s6], [sflag:$0x1] =	stream.indirect.gather [hbm4b:s2+s6], $0x8, s3, s6, $0xb8;
	[tilespmem:$0x16800] =	vst v63  }
0x79: {  	_ =	swait.ge [sflag:s7], $0x14000  }
.Ltmp1:
0x7a: {  	[sflag:s7] =	ssyncset.done $0x0;
	(pc) =	sbr.rel @p0 .LBB2_1-.Ltmp1, $4  }
0x7b: {  	[sflag:s7] =	ssyncadd.s32 $0xFFFEC000  }
0x7c: {  	[hbm4b:s16+s3] =	stream.linear.scatter [tilespmem:s6], [sflag:$0x2], $0x14000, $0x38;
	[tilespmem:$0x16800] =	vst v63  }
0x7d: {  	_ =	swait.ge [sflag:s4], $0x14000  }
0x7e: {  	[sflag:s4] =	ssyncset.done $0x0  }
.LBB2_2:
0x7f: {  	[sflag:s4] =	ssyncadd.s32 $0xFFFEC000  }
0x80: {  	_ =	sfence.sel $0x180000  }
0x81: {  	[bflag:$0x0] =	sbarrier.arrive $0xFFFF  }
0x82: {  	p0 =	sne.s32 s0, $0x0;
	_ =	strace $0x90000047  }
0x83: {  	s0 =	sadd.s32 @!p0 $0x100000, s1;
	[bflag:$0x2] =	sbarrier.arrive $0xFFFF  }
0x84: {  	[sflag:s0] =	ssyncadd.tile.s32 @!p0 $0x1;
	_ =	shalt  }
.Lfunc_end2:
_tile_overlayer_lowered:
.L_overlay_start_2:
0x85: {  	(tag) =	ssettag $0x2  }
0x86: {  	s0 =	rddreg [dreg:$0x0];
	s2 =	stileid.u32  }
0x87: {  	s1 =	rddreg [dreg:$0x1];
	p0 =	sne.s32 s2, $0x0  }
0x88: {  	s3 =	rddreg [dreg:$0x2];
	[bflag:$0x3] =	sbarrier.arrive $0xFFFF;
	s2 =	simm.s32 @!p0 $0x1C02  }
0x89: {  	[timem:s3], [sflag:s2] =	dma.local @!p0 [hbm:s0], s1  }
0x8a: {  	s0 =	simm.s32 @!p0 $0x2  }
0x8b: {  	_ =	swait.ge @!p0 [sflag:s0], s1  }
0x8c: {  	s1 =	ssub.s32 @!p0 $0x0, s1;
	[sflag:s0] =	ssyncset.done @!p0 $0x0  }
0x8d: {  	[sflag:s0] =	ssyncadd.s32 @!p0 s1  }
0x8e: {  	[bflag:$0x3] =	sbarrier.arrive $0xFFFF  }
0x8f: {  	_ =	shalt  }

</sc_bundles>
